<compile_context>
chip_gen: v7x
topology: tpu7x:2x2x1
jax: 0.10.2.dev20260603
libtpu: 0.0.44.dev20260713+nightly
codegen_flags: <defaults>
</compile_context>

<pallas_src>
import functools
import jax
import jax.numpy as jnp
from jax import lax
from jax.experimental import pallas as pl
from jax.experimental.pallas import tpu as pltpu
from jax.experimental.pallas import tpu_sc as plsc

NT = 512
NPT = 1023
CD = 8
NG = 4
MM = 1000
FD = CD * NG
NPAD = NT * 1024

_HI = jax.lax.Precision.HIGHEST


def _pre_body(lb_ref, la_ref, lp_ref, bt_ref, as_ref, ps_ref):
    lb = lb_ref[...]
    eb = jnp.exp(lb - jnp.max(lb, axis=1, keepdims=True))
    bt_ref[...] = eb / jnp.sum(eb, axis=1, keepdims=True)
    la = la_ref[...]
    ea = jnp.exp(la - jnp.max(la, axis=0, keepdims=True))
    as_ref[...] = ea / jnp.sum(ea, axis=0, keepdims=True)
    lp = lp_ref[...]
    ep = jnp.exp(lp - jnp.max(lp, axis=0, keepdims=True))
    ps_ref[...] = ep / jnp.sum(ep, axis=0, keepdims=True)


_pre_call = pl.pallas_call(
    _pre_body,
    out_shape=(
        jax.ShapeDtypeStruct((FD, MM), jnp.float32),
        jax.ShapeDtypeStruct((CD, FD), jnp.float32),
        jax.ShapeDtypeStruct((CD, NG), jnp.float32),
    ),
)


_NC, _NS = 2, 16
_NW = _NC * _NS
_ROWS_W = NPAD // _NW // 128
_KF = 8
_NOUT = NPAD // 128


def _gather_body(tab_hbm, x_hbm, out_hbm, idx_v, rows_v, sem):
    wid = lax.axis_index("s") * _NC + lax.axis_index("c")
    base = wid * _ROWS_W
    pltpu.sync_copy(x_hbm.at[pl.ds(base, _ROWS_W)], idx_v)

    def outer(jo, carry):
        hs = []
        for b in range(_KF):
            hs.append(pltpu.async_copy(
                tab_hbm.at[idx_v.at[jo * _KF + b]], rows_v.at[b], sem))
        for h in hs:
            h.wait()
        for b in range(_KF):
            pltpu.sync_copy(rows_v.at[b], out_hbm.at[base + jo * _KF + b])
        return carry

    lax.fori_loop(0, _ROWS_W // _KF, outer, 0)


@functools.cache
def _gather_call():
    return functools.partial(
        pl.kernel,
        out_type=jax.ShapeDtypeStruct((_NOUT, 128, FD), jnp.float32),
        mesh=plsc.VectorSubcoreMesh(core_axis_name="c", subcore_axis_name="s"),
        compiler_params=pltpu.CompilerParams(use_tc_tiling_on_sc=False),
        scratch_types=[
            pltpu.VMEM((_ROWS_W, 128), jnp.int32),
            pltpu.VMEM((_KF, 128, FD), jnp.float32),
            pltpu.SemaphoreType.DMA,
        ],
    )(_gather_body)


_TB = 32


def _main_body(ep_ref, w2_ref, pi_ref, s64_ref, s64t_ref, g8_ref, s32_ref,
               out_ref):
    w2 = w2_ref[...]
    pi64 = pi_ref[...]
    s64 = s64_ref[...]
    s64t = s64t_ref[...]
    g8 = g8_ref[...]
    s32 = s32_ref[...]

    def level(b2, k):
        nu = jax.lax.dot(b2, s64, precision=_HI)
        cur = b2 * jax.lax.dot(1.0 / nu, s64t, precision=_HI)
        lsum = jnp.sum(jnp.log(nu).reshape(_TB, k, 8), axis=1)
        return cur, jax.lax.dot(lsum, g8, precision=_HI)

    e = ep_ref[:, 255:511, :].reshape(_TB * 256, 64)
    cur, ll = level(pi64 * e, 256)
    for k in (128, 64, 32, 16, 8, 4, 2, 1):
        t2 = jax.lax.dot(cur, w2, precision=_HI)
        t3 = t2.reshape(_TB * k, 2, 32)
        t64 = jnp.concatenate([t3[:, 0, :], t3[:, 1, :]], axis=1)
        e = ep_ref[:, k - 1:2 * k - 1, :].reshape(_TB * k, 64)
        cur, dll = level(e * t64, k)
        ll = ll + dll
    troot = jax.lax.dot(cur, w2, precision=_HI)
    eroot = ep_ref[:, 511:512, 0:32].reshape(_TB, 32)
    broot = eroot * troot
    nuroot = jax.lax.dot(broot, s32, precision=_HI)
    out_ref[...] = ll + jnp.log(nuroot)


_main_call = pl.pallas_call(
    _main_body,
    grid=(NT // _TB,),
    in_specs=[
        pl.BlockSpec((_TB, 512, 64), lambda i: (i, 0, 0)),
        pl.BlockSpec((64, 32), lambda i: (0, 0)),
        pl.BlockSpec((1, 64), lambda i: (0, 0)),
        pl.BlockSpec((64, 8), lambda i: (0, 0)),
        pl.BlockSpec((8, 64), lambda i: (0, 0)),
        pl.BlockSpec((8, 4), lambda i: (0, 0)),
        pl.BlockSpec((32, 4), lambda i: (0, 0)),
    ],
    out_specs=pl.BlockSpec((_TB, 4), lambda i: (i, 0)),
    out_shape=jax.ShapeDtypeStruct((NT, NG), jnp.float32),
)


def kernel(x, levels, leaves, roots, inv_map, trees_ind, lambda_A, lambda_B,
           lambda_Pi):
    lbt = jnp.transpose(lambda_B, (0, 2, 1)).reshape(FD, MM)
    la2 = lambda_A.reshape(CD, FD)
    bt, a_s, p_s = _pre_call(lbt, la2, lambda_Pi)

    btable = bt.T
    eye4 = jnp.eye(NG, dtype=jnp.float32)
    w_full = (jnp.transpose(a_s.reshape(CD, CD, NG), (1, 2, 0))[:, :, :, None]
              * eye4[None, :, None, :]).reshape(FD, FD)
    w2 = 0.5 * jnp.concatenate([w_full, w_full], axis=0)
    pi64 = jnp.tile(p_s.reshape(1, FD), (1, 2))
    s32 = jnp.tile(eye4, (CD, 1))
    s64 = jnp.kron(jnp.eye(2, dtype=jnp.float32),
                   jnp.tile(eye4, (CD, 1)))
    s64t = s64.T
    g8 = jnp.tile(eye4, (2, 1))

    xt = x.reshape(NT, NPT)
    x_g = jnp.concatenate(
        [xt[:, 1:], xt[:, :1], jnp.zeros((NT, 1), jnp.int32)], axis=1)
    x_rows = x_g.reshape(_NOUT, 128)

    e_rows = _gather_call()(btable, x_rows)
    ep = e_rows.reshape(NT, 512, 64)

    return _main_call(ep, w2, pi64, s64, s64t, g8, s32)

# --- scband reference (transcript-rebuilt; emitter-appended) ---
"""Pipeline reference for scband-uniform-bottom-up-htmm-67877663146179 (READ-ONLY COPY).

The authoritative reference and input builder live on the scoring server;
editing this copy changes nothing except your own understanding.
"""

import jax, jax.numpy as jnp
import numpy as np

N_TREES = 512
DEPTH = 10  # node depth levels 0..9 per tree
NODES_PER_TREE = 2 ** DEPTH - 1  # 1023
DIM = N_TREES * NODES_PER_TREE  # 523776
C = 8
M = 1000
N_GEN = 4


def _build_tree():
    offsets = np.arange(N_TREES, dtype=np.int64) * NODES_PER_TREE
    levels = []
    for l in range(DEPTH - 1):
        pa_local = np.arange(2 ** l - 1, 2 ** (l + 1) - 1, dtype=np.int64)
        pa_rep = np.repeat(pa_local, 2)
        ch_local = np.empty_like(pa_rep)
        ch_local[0::2] = 2 * pa_local + 1
        ch_local[1::2] = 2 * pa_local + 2
        pa_g = (offsets[:, None] + pa_rep[None, :]).reshape(-1)
        ch_g = (offsets[:, None] + ch_local[None, :]).reshape(-1)
        upa_g = (offsets[:, None] + pa_local[None, :]).reshape(-1)
        levels.append((jnp.asarray(pa_g, dtype=jnp.int32), jnp.asarray(ch_g, dtype=jnp.int32), jnp.asarray(upa_g, dtype=jnp.int32)))
    leaves_local = np.arange(2 ** (DEPTH - 1) - 1, NODES_PER_TREE, dtype=np.int64)
    leaves = jnp.asarray((offsets[:, None] + leaves_local[None, :]).reshape(-1), dtype=jnp.int32)
    roots = jnp.asarray(offsets, dtype=jnp.int32)
    inv_map = jnp.arange(DIM, dtype=jnp.int32)
    trees_ind = jnp.asarray(np.repeat(np.arange(N_TREES, dtype=np.int64), NODES_PER_TREE), dtype=jnp.int32)
    return levels, leaves, roots, inv_map, trees_ind


def setup_inputs(seed: int = 0):
    key = jax.random.key(seed)
    k1, k2, k3, k4 = jax.random.split(key, 4)
    levels, leaves, roots, inv_map, trees_ind = _build_tree()
    x = jax.random.randint(k1, (DIM,), 0, M, dtype=jnp.int32)
    lambda_A = jax.random.uniform(k2, (C, C, N_GEN), dtype=jnp.float32)
    lambda_B = jax.random.uniform(k3, (C, M, N_GEN), dtype=jnp.float32)
    lambda_Pi = jax.random.uniform(k4, (C, N_GEN), dtype=jnp.float32)
    return {"x": x, "levels": tuple(levels), "leaves": leaves, "roots": roots, "inv_map": inv_map, "trees_ind": trees_ind, "lambda_A": lambda_A, "lambda_B": lambda_B, "lambda_Pi": lambda_Pi}


def reference(x, levels, leaves, roots, inv_map, trees_ind, lambda_A, lambda_B, lambda_Pi):
    # softmax reparameterization (matches per-slice F.softmax over the stated dims)
    A = jax.nn.softmax(lambda_A, axis=0)   # (C, C, n_gen)
    B = jax.nn.softmax(lambda_B, axis=1)   # (C, M, n_gen)
    Pi = jax.nn.softmax(lambda_Pi, axis=0) # (C, n_gen)
    dim = inv_map.shape[0]
    beta = jnp.zeros((dim, C, N_GEN), dtype=jnp.float32)
    t_beta = jnp.zeros((dim, C, N_GEN), dtype=jnp.float32)
    log_likelihood = jnp.zeros((dim, N_GEN), dtype=jnp.float32)

    # leaves initialization
    leaves_idx = inv_map[leaves]
    B_leaves = jnp.transpose(B[:, x[leaves_idx]], (1, 0, 2))  # (L, C, n_gen)
    beta_leaves = Pi[None, :, :] * B_leaves
    nu = beta_leaves.sum(axis=1)  # (L, n_gen)
    beta = beta.at[leaves].set(beta_leaves / nu[:, None, :])
    log_likelihood = log_likelihood.at[leaves].set(jnp.log(nu))

    # bottom-up pass over levels (deepest first)
    for pa, ch, upa in reversed(levels):
        beta_ch = beta[ch]  # (E, C, n_gen)
        t_beta_ch = (A[None, :, :, :] * beta_ch[:, None, :, :]).sum(axis=2)  # (E, C, n_gen)
        # scatter-mean of child messages onto parents (parents disjoint across levels, out starts at 0)
        cnt = jnp.zeros((dim,), dtype=jnp.float32).at[pa].add(1.0)
        t_beta = t_beta.at[pa].add(t_beta_ch / cnt[pa][:, None, None])
        B_l = jnp.transpose(B[:, x[inv_map[upa]]], (1, 0, 2))  # (U, C, n_gen)
        beta_l = B_l * t_beta[upa]
        nu = beta_l.sum(axis=1)
        beta = beta.at[upa].set(beta_l / nu[:, None, :])
        log_likelihood = log_likelihood.at[upa].set(jnp.log(nu))

    # scatter-add per-node log-likelihood into per-tree totals
    out = jnp.zeros((N_TREES, N_GEN), dtype=jnp.float32).at[trees_ind].add(log_likelihood)
    return out


if False:  # reference __main__ guard neutralized (emitter)
    inp = setup_inputs()
    o = reference(**inp)
    print(o.shape, o.dtype)

if __name__ == "__main__":
    import jax
    _d = setup_inputs()
    print(jax.jit(kernel)(*tuple(_d.values())))

</pallas_src>

<mosaic_0001>
#map = affine_map<(d0, d1) -> (0, 0)>
#map1 = affine_map<(d0, d1) -> (0, 0, 0)>
module attributes {stable_mosaic.version = 14 : i64} {
  func.func @_gather_body(%arg0: i32, %arg1: i32, %arg2: memref<1000x32xf32, #tpu.memory_space<hbm>>, %arg3: memref<4096x128xi32, #tpu.memory_space<hbm>>, %arg4: memref<4096x128x32xf32, #tpu.memory_space<hbm>>, %arg5: memref<128x128xi32, #tpu.memory_space<vmem>>, %arg6: memref<8x128x32xf32, #tpu.memory_space<vmem>>, %arg7: memref<!tpu.dma_semaphore, #tpu.memory_space<semaphore_mem>>) attributes {dimension_semantics = [#tpu.dimension_semantics<core_parallel>, #tpu.dimension_semantics<subcore_parallel>], iteration_bounds = array<i64: 2, 16>, scalar_prefetch = 0 : i64, scratch_operands = 3 : i64, tpu.core_type = #tpu.core_type<sc_vector_subcore>, window_params = [{transform_indices = #map}, {transform_indices = #map}, {transform_indices = #map1}]} {
    %mul3A = arith.constant 2 : i32
    %mul3A_0 = arith.muli %arg1, %mul3A : i32
    %add3A = arith.addi %mul3A_0, %arg0 : i32
    %mul3A_1 = arith.constant 128 : i32
    %mul3A_2 = arith.muli %add3A, %mul3A_1 : i32
    "tpu.region"() ({
      %run_scoped3A = tpu.sem_alloc : memref<!tpu.dma_semaphore, #tpu.memory_space<semaphore_mem>>
      %dma_start3A = arith.constant 0 : i32
      %dma_start3A_8 = tpu.memref_slice %arg3[%mul3A_2, %dma_start3A] : memref<4096x128xi32, #tpu.memory_space<hbm>> -> memref<128x128xi32, #tpu.memory_space<hbm>>
      %dma_start3A_9 = arith.constant 0 : i32
      %dma_start3A_10 = tpu.memref_slice %arg3[%mul3A_2, %dma_start3A_9] : memref<4096x128xi32, #tpu.memory_space<hbm>> -> memref<128x128xi32, #tpu.memory_space<hbm>>
      tpu.enqueue_dma source(%dma_start3A_10 : memref<128x128xi32, #tpu.memory_space<hbm>>) target(%arg5 : memref<128x128xi32, #tpu.memory_space<vmem>>) target_semaphore(%run_scoped3A : memref<!tpu.dma_semaphore, #tpu.memory_space<semaphore_mem>>)
      %dma_wait3A = arith.constant 0 : i32
      %dma_wait3A_11 = tpu.memref_slice %arg3[%mul3A_2, %dma_wait3A] : memref<4096x128xi32, #tpu.memory_space<hbm>> -> memref<128x128xi32, #tpu.memory_space<hbm>>
      %dma_wait3A_12 = arith.constant 0 : i32
      %dma_wait3A_13 = tpu.memref_slice %arg3[%mul3A_2, %dma_wait3A_12] : memref<4096x128xi32, #tpu.memory_space<hbm>> -> memref<128x128xi32, #tpu.memory_space<hbm>>
      tpu.wait_dma2 semaphore(%run_scoped3A : memref<!tpu.dma_semaphore, #tpu.memory_space<semaphore_mem>>) src(%dma_wait3A_13 : memref<128x128xi32, #tpu.memory_space<hbm>>) dst(%arg5 : memref<128x128xi32, #tpu.memory_space<vmem>>)
      tpu.yield
    }) : () -> ()
    %scan3A = arith.constant 0 : i32
    %scan3A_3 = arith.constant 0 : i32
    %scan3A_4 = arith.constant 16 : i32
    %scan3A_5 = arith.addi %scan3A_3, %scan3A_4 : i32
    %scan3A_6 = arith.constant 1 : i32
    scf.for %scan3A_8 = %scan3A_3 to %scan3A_5 step %scan3A_6  : i32 {
      %mul3A_9 = arith.constant 8 : i32
      %mul3A_10 = arith.muli %scan3A_8, %mul3A_9 : i32
      %add3A_11 = arith.constant 0 : i32
      %add3A_12 = arith.addi %mul3A_10, %add3A_11 : i32
      %dma_start3A = arith.constant 0 : i32
      %dma_start3A_13 = arith.constant 0 : i32
      %dma_start3A_14 = arith.constant 0 : i32
      %dma_start3A_15 = tpu.memref_slice %arg6[%dma_start3A, %dma_start3A_13, %dma_start3A_14] : memref<8x128x32xf32, #tpu.memory_space<vmem>> -> memref<1x128x32xf32, #tpu.memory_space<vmem>>
      %dma_start3A_16 = tpu.memref_squeeze %dma_start3A_15 : memref<1x128x32xf32, #tpu.memory_space<vmem>> -> memref<128x32xf32, #tpu.memory_space<vmem>>
      %dma_start3A_17 = arith.constant 0 : i32
      %dma_start3A_18 = tpu.memref_slice %arg5[%add3A_12, %dma_start3A_17] : memref<128x128xi32, #tpu.memory_space<vmem>> -> memref<1x128xi32, #tpu.memory_space<vmem>>
      %dma_start3A_19 = tpu.memref_squeeze %dma_start3A_18 : memref<1x128xi32, #tpu.memory_space<vmem>> -> memref<128xi32, #tpu.memory_space<vmem>>
      %dma_start3A_20 = arith.constant 0 : i32
      %dma_start3A_21 = arith.constant 0 : i32
      %dma_start3A_22 = tpu.memref_slice %arg2[%dma_start3A_20, %dma_start3A_21] : memref<1000x32xf32, #tpu.memory_space<hbm>> -> memref<1000x32xf32, #tpu.memory_space<hbm>>
      tpu.enqueue_indirect_dma source(%dma_start3A_22 : memref<1000x32xf32, #tpu.memory_space<hbm>>) target(%dma_start3A_16 : memref<128x32xf32, #tpu.memory_space<vmem>>) offsets(%dma_start3A_19 : memref<128xi32, #tpu.memory_space<vmem>>) semaphore(%arg7 : memref<!tpu.dma_semaphore, #tpu.memory_space<semaphore_mem>>)
      %mul3A_23 = arith.constant 8 : i32
      %mul3A_24 = arith.muli %scan3A_8, %mul3A_23 : i32
      %add3A_25 = arith.constant 1 : i32
      %add3A_26 = arith.addi %mul3A_24, %add3A_25 : i32
      %dma_start3A_27 = arith.constant 1 : i32
      %dma_start3A_28 = arith.constant 0 : i32
      %dma_start3A_29 = arith.constant 0 : i32
      %dma_start3A_30 = tpu.memref_slice %arg6[%dma_start3A_27, %dma_start3A_28, %dma_start3A_29] : memref<8x128x32xf32, #tpu.memory_space<vmem>> -> memref<1x128x32xf32, #tpu.memory_space<vmem>>
      %dma_start3A_31 = tpu.memref_squeeze %dma_start3A_30 : memref<1x128x32xf32, #tpu.memory_space<vmem>> -> memref<128x32xf32, #tpu.memory_space<vmem>>
      %dma_start3A_32 = arith.constant 0 : i32
      %dma_start3A_33 = tpu.memref_slice %arg5[%add3A_26, %dma_start3A_32] : memref<128x128xi32, #tpu.memory_space<vmem>> -> memref<1x128xi32, #tpu.memory_space<vmem>>
      %dma_start3A_34 = tpu.memref_squeeze %dma_start3A_33 : memref<1x128xi32, #tpu.memory_space<vmem>> -> memref<128xi32, #tpu.memory_space<vmem>>
      %dma_start3A_35 = arith.constant 0 : i32
      %dma_start3A_36 = arith.constant 0 : i32
      %dma_start3A_37 = tpu.memref_slice %arg2[%dma_start3A_35, %dma_start3A_36] : memref<1000x32xf32, #tpu.memory_space<hbm>> -> memref<1000x32xf32, #tpu.memory_space<hbm>>
      tpu.enqueue_indirect_dma source(%dma_start3A_37 : memref<1000x32xf32, #tpu.memory_space<hbm>>) target(%dma_start3A_31 : memref<128x32xf32, #tpu.memory_space<vmem>>) offsets(%dma_start3A_34 : memref<128xi32, #tpu.memory_space<vmem>>) semaphore(%arg7 : memref<!tpu.dma_semaphore, #tpu.memory_space<semaphore_mem>>)
      %mul3A_38 = arith.constant 8 : i32
      %mul3A_39 = arith.muli %scan3A_8, %mul3A_38 : i32
      %add3A_40 = arith.constant 2 : i32
      %add3A_41 = arith.addi %mul3A_39, %add3A_40 : i32
      %dma_start3A_42 = arith.constant 2 : i32
      %dma_start3A_43 = arith.constant 0 : i32
      %dma_start3A_44 = arith.constant 0 : i32
      %dma_start3A_45 = tpu.memref_slice %arg6[%dma_start3A_42, %dma_start3A_43, %dma_start3A_44] : memref<8x128x32xf32, #tpu.memory_space<vmem>> -> memref<1x128x32xf32, #tpu.memory_space<vmem>>
      %dma_start3A_46 = tpu.memref_squeeze %dma_start3A_45 : memref<1x128x32xf32, #tpu.memory_space<vmem>> -> memref<128x32xf32, #tpu.memory_space<vmem>>
      %dma_start3A_47 = arith.constant 0 : i32
      %dma_start3A_48 = tpu.memref_slice %arg5[%add3A_41, %dma_start3A_47] : memref<128x128xi32, #tpu.memory_space<vmem>> -> memref<1x128xi32, #tpu.memory_space<vmem>>
      %dma_start3A_49 = tpu.memref_squeeze %dma_start3A_48 : memref<1x128xi32, #tpu.memory_space<vmem>> -> memref<128xi32, #tpu.memory_space<vmem>>
      %dma_start3A_50 = arith.constant 0 : i32
      %dma_start3A_51 = arith.constant 0 : i32
      %dma_start3A_52 = tpu.memref_slice %arg2[%dma_start3A_50, %dma_start3A_51] : memref<1000x32xf32, #tpu.memory_space<hbm>> -> memref<1000x32xf32, #tpu.memory_space<hbm>>
      tpu.enqueue_indirect_dma source(%dma_start3A_52 : memref<1000x32xf32, #tpu.memory_space<hbm>>) target(%dma_start3A_46 : memref<128x32xf32, #tpu.memory_space<vmem>>) offsets(%dma_start3A_49 : memref<128xi32, #tpu.memory_space<vmem>>) semaphore(%arg7 : memref<!tpu.dma_semaphore, #tpu.memory_space<semaphore_mem>>)
      %mul3A_53 = arith.constant 8 : i32
      %mul3A_54 = arith.muli %scan3A_8, %mul3A_53 : i32
      %add3A_55 = arith.constant 3 : i32
      %add3A_56 = arith.addi %mul3A_54, %add3A_55 : i32
      %dma_start3A_57 = arith.constant 3 : i32
      %dma_start3A_58 = arith.constant 0 : i32
      %dma_start3A_59 = arith.constant 0 : i32
      %dma_start3A_60 = tpu.memref_slice %arg6[%dma_start3A_57, %dma_start3A_58, %dma_start3A_59] : memref<8x128x32xf32, #tpu.memory_space<vmem>> -> memref<1x128x32xf32, #tpu.memory_space<vmem>>
      %dma_start3A_61 = tpu.memref_squeeze %dma_start3A_60 : memref<1x128x32xf32, #tpu.memory_space<vmem>> -> memref<128x32xf32, #tpu.memory_space<vmem>>
      %dma_start3A_62 = arith.constant 0 : i32
      %dma_start3A_63 = tpu.memref_slice %arg5[%add3A_56, %dma_start3A_62] : memref<128x128xi32, #tpu.memory_space<vmem>> -> memref<1x128xi32, #tpu.memory_space<vmem>>
      %dma_start3A_64 = tpu.memref_squeeze %dma_start3A_63 : memref<1x128xi32, #tpu.memory_space<vmem>> -> memref<128xi32, #tpu.memory_space<vmem>>
      %dma_start3A_65 = arith.constant 0 : i32
      %dma_start3A_66 = arith.constant 0 : i32
      %dma_start3A_67 = tpu.memref_slice %arg2[%dma_start3A_65, %dma_start3A_66] : memref<1000x32xf32, #tpu.memory_space<hbm>> -> memref<1000x32xf32, #tpu.memory_space<hbm>>
      tpu.enqueue_indirect_dma source(%dma_start3A_67 : memref<1000x32xf32, #tpu.memory_space<hbm>>) target(%dma_start3A_61 : memref<128x32xf32, #tpu.memory_space<vmem>>) offsets(%dma_start3A_64 : memref<128xi32, #tpu.memory_space<vmem>>) semaphore(%arg7 : memref<!tpu.dma_semaphore, #tpu.memory_space<semaphore_mem>>)
      %mul3A_68 = arith.constant 8 : i32
      %mul3A_69 = arith.muli %scan3A_8, %mul3A_68 : i32
      %add3A_70 = arith.constant 4 : i32
      %add3A_71 = arith.addi %mul3A_69, %add3A_70 : i32
      %dma_start3A_72 = arith.constant 4 : i32
      %dma_start3A_73 = arith.constant 0 : i32
      %dma_start3A_74 = arith.constant 0 : i32
      %dma_start3A_75 = tpu.memref_slice %arg6[%dma_start3A_72, %dma_start3A_73, %dma_start3A_74] : memref<8x128x32xf32, #tpu.memory_space<vmem>> -> memref<1x128x32xf32, #tpu.memory_space<vmem>>
      %dma_start3A_76 = tpu.memref_squeeze %dma_start3A_75 : memref<1x128x32xf32, #tpu.memory_space<vmem>> -> memref<128x32xf32, #tpu.memory_space<vmem>>
      %dma_start3A_77 = arith.constant 0 : i32
      %dma_start3A_78 = tpu.memref_slice %arg5[%add3A_71, %dma_start3A_77] : memref<128x128xi32, #tpu.memory_space<vmem>> -> memref<1x128xi32, #tpu.memory_space<vmem>>
      %dma_start3A_79 = tpu.memref_squeeze %dma_start3A_78 : memref<1x128xi32, #tpu.memory_space<vmem>> -> memref<128xi32, #tpu.memory_space<vmem>>
      %dma_start3A_80 = arith.constant 0 : i32
      %dma_start3A_81 = arith.constant 0 : i32
      %dma_start3A_82 = tpu.memref_slice %arg2[%dma_start3A_80, %dma_start3A_81] : memref<1000x32xf32, #tpu.memory_space<hbm>> -> memref<1000x32xf32, #tpu.memory_space<hbm>>
      tpu.enqueue_indirect_dma source(%dma_start3A_82 : memref<1000x32xf32, #tpu.memory_space<hbm>>) target(%dma_start3A_76 : memref<128x32xf32, #tpu.memory_space<vmem>>) offsets(%dma_start3A_79 : memref<128xi32, #tpu.memory_space<vmem>>) semaphore(%arg7 : memref<!tpu.dma_semaphore, #tpu.memory_space<semaphore_mem>>)
      %mul3A_83 = arith.constant 8 : i32
      %mul3A_84 = arith.muli %scan3A_8, %mul3A_83 : i32
      %add3A_85 = arith.constant 5 : i32
      %add3A_86 = arith.addi %mul3A_84, %add3A_85 : i32
      %dma_start3A_87 = arith.constant 5 : i32
      %dma_start3A_88 = arith.constant 0 : i32
      %dma_start3A_89 = arith.constant 0 : i32
      %dma_start3A_90 = tpu.memref_slice %arg6[%dma_start3A_87, %dma_start3A_88, %dma_start3A_89] : memref<8x128x32xf32, #tpu.memory_space<vmem>> -> memref<1x128x32xf32, #tpu.memory_space<vmem>>
      %dma_start3A_91 = tpu.memref_squeeze %dma_start3A_90 : memref<1x128x32xf32, #tpu.memory_space<vmem>> -> memref<128x32xf32, #tpu.memory_space<vmem>>
      %dma_start3A_92 = arith.constant 0 : i32
      %dma_start3A_93 = tpu.memref_slice %arg5[%add3A_86, %dma_start3A_92] : memref<128x128xi32, #tpu.memory_space<vmem>> -> memref<1x128xi32, #tpu.memory_space<vmem>>
      %dma_start3A_94 = tpu.memref_squeeze %dma_start3A_93 : memref<1x128xi32, #tpu.memory_space<vmem>> -> memref<128xi32, #tpu.memory_space<vmem>>
      %dma_start3A_95 = arith.constant 0 : i32
      %dma_start3A_96 = arith.constant 0 : i32
      %dma_start3A_97 = tpu.memref_slice %arg2[%dma_start3A_95, %dma_start3A_96] : memref<1000x32xf32, #tpu.memory_space<hbm>> -> memref<1000x32xf32, #tpu.memory_space<hbm>>
      tpu.enqueue_indirect_dma source(%dma_start3A_97 : memref<1000x32xf32, #tpu.memory_space<hbm>>) target(%dma_start3A_91 : memref<128x32xf32, #tpu.memory_space<vmem>>) offsets(%dma_start3A_94 : memref<128xi32, #tpu.memory_space<vmem>>) semaphore(%arg7 : memref<!tpu.dma_semaphore, #tpu.memory_space<semaphore_mem>>)
      %mul3A_98 = arith.constant 8 : i32
      %mul3A_99 = arith.muli %scan3A_8, %mul3A_98 : i32
      %add3A_100 = arith.constant 6 : i32
      %add3A_101 = arith.addi %mul3A_99, %add3A_100 : i32
      %dma_start3A_102 = arith.constant 6 : i32
      %dma_start3A_103 = arith.constant 0 : i32
      %dma_start3A_104 = arith.constant 0 : i32
      %dma_start3A_105 = tpu.memref_slice %arg6[%dma_start3A_102, %dma_start3A_103, %dma_start3A_104] : memref<8x128x32xf32, #tpu.memory_space<vmem>> -> memref<1x128x32xf32, #tpu.memory_space<vmem>>
      %dma_start3A_106 = tpu.memref_squeeze %dma_start3A_105 : memref<1x128x32xf32, #tpu.memory_space<vmem>> -> memref<128x32xf32, #tpu.memory_space<vmem>>
      %dma_start3A_107 = arith.constant 0 : i32
      %dma_start3A_108 = tpu.memref_slice %arg5[%add3A_101, %dma_start3A_107] : memref<128x128xi32, #tpu.memory_space<vmem>> -> memref<1x128xi32, #tpu.memory_space<vmem>>
      %dma_start3A_109 = tpu.memref_squeeze %dma_start3A_108 : memref<1x128xi32, #tpu.memory_space<vmem>> -> memref<128xi32, #tpu.memory_space<vmem>>
      %dma_start3A_110 = arith.constant 0 : i32
      %dma_start3A_111 = arith.constant 0 : i32
      %dma_start3A_112 = tpu.memref_slice %arg2[%dma_start3A_110, %dma_start3A_111] : memref<1000x32xf32, #tpu.memory_space<hbm>> -> memref<1000x32xf32, #tpu.memory_space<hbm>>
      tpu.enqueue_indirect_dma source(%dma_start3A_112 : memref<1000x32xf32, #tpu.memory_space<hbm>>) target(%dma_start3A_106 : memref<128x32xf32, #tpu.memory_space<vmem>>) offsets(%dma_start3A_109 : memref<128xi32, #tpu.memory_space<vmem>>) semaphore(%arg7 : memref<!tpu.dma_semaphore, #tpu.memory_space<semaphore_mem>>)
      %mul3A_113 = arith.constant 8 : i32
      %mul3A_114 = arith.muli %scan3A_8, %mul3A_113 : i32
      %add3A_115 = arith.constant 7 : i32
      %add3A_116 = arith.addi %mul3A_114, %add3A_115 : i32
      %dma_start3A_117 = arith.constant 7 : i32
      %dma_start3A_118 = arith.constant 0 : i32
      %dma_start3A_119 = arith.constant 0 : i32
      %dma_start3A_120 = tpu.memref_slice %arg6[%dma_start3A_117, %dma_start3A_118, %dma_start3A_119] : memref<8x128x32xf32, #tpu.memory_space<vmem>> -> memref<1x128x32xf32, #tpu.memory_space<vmem>>
      %dma_start3A_121 = tpu.memref_squeeze %dma_start3A_120 : memref<1x128x32xf32, #tpu.memory_space<vmem>> -> memref<128x32xf32, #tpu.memory_space<vmem>>
      %dma_start3A_122 = arith.constant 0 : i32
      %dma_start3A_123 = tpu.memref_slice %arg5[%add3A_116, %dma_start3A_122] : memref<128x128xi32, #tpu.memory_space<vmem>> -> memref<1x128xi32, #tpu.memory_space<vmem>>
      %dma_start3A_124 = tpu.memref_squeeze %dma_start3A_123 : memref<1x128xi32, #tpu.memory_space<vmem>> -> memref<128xi32, #tpu.memory_space<vmem>>
      %dma_start3A_125 = arith.constant 0 : i32
      %dma_start3A_126 = arith.constant 0 : i32
      %dma_start3A_127 = tpu.memref_slice %arg2[%dma_start3A_125, %dma_start3A_126] : memref<1000x32xf32, #tpu.memory_space<hbm>> -> memref<1000x32xf32, #tpu.memory_space<hbm>>
      tpu.enqueue_indirect_dma source(%dma_start3A_127 : memref<1000x32xf32, #tpu.memory_space<hbm>>) target(%dma_start3A_121 : memref<128x32xf32, #tpu.memory_space<vmem>>) offsets(%dma_start3A_124 : memref<128xi32, #tpu.memory_space<vmem>>) semaphore(%arg7 : memref<!tpu.dma_semaphore, #tpu.memory_space<semaphore_mem>>)
      %dma_wait3A = arith.constant 0 : i32
      %dma_wait3A_128 = arith.constant 0 : i32
      %dma_wait3A_129 = arith.constant 0 : i32
      %dma_wait3A_130 = tpu.memref_slice %arg6[%dma_wait3A, %dma_wait3A_128, %dma_wait3A_129] : memref<8x128x32xf32, #tpu.memory_space<vmem>> -> memref<1x128x32xf32, #tpu.memory_space<vmem>>
      %dma_wait3A_131 = tpu.memref_squeeze %dma_wait3A_130 : memref<1x128x32xf32, #tpu.memory_space<vmem>> -> memref<128x32xf32, #tpu.memory_space<vmem>>
      %dma_wait3A_132 = arith.constant 0 : i32
      %dma_wait3A_133 = tpu.memref_slice %arg5[%add3A_12, %dma_wait3A_132] : memref<128x128xi32, #tpu.memory_space<vmem>> -> memref<1x128xi32, #tpu.memory_space<vmem>>
      %dma_wait3A_134 = tpu.memref_squeeze %dma_wait3A_133 : memref<1x128xi32, #tpu.memory_space<vmem>> -> memref<128xi32, #tpu.memory_space<vmem>>
      %dma_wait3A_135 = arith.constant 0 : i32
      %dma_wait3A_136 = arith.constant 0 : i32
      %dma_wait3A_137 = tpu.memref_slice %arg2[%dma_wait3A_135, %dma_wait3A_136] : memref<1000x32xf32, #tpu.memory_space<hbm>> -> memref<1000x32xf32, #tpu.memory_space<hbm>>
      tpu.wait_indirect_dma semaphore(%arg7 : memref<!tpu.dma_semaphore, #tpu.memory_space<semaphore_mem>>) src(%dma_wait3A_137 : memref<1000x32xf32, #tpu.memory_space<hbm>>) dst(%dma_wait3A_131 : memref<128x32xf32, #tpu.memory_space<vmem>>)
      %dma_wait3A_138 = arith.constant 1 : i32
      %dma_wait3A_139 = arith.constant 0 : i32
      %dma_wait3A_140 = arith.constant 0 : i32
      %dma_wait3A_141 = tpu.memref_slice %arg6[%dma_wait3A_138, %dma_wait3A_139, %dma_wait3A_140] : memref<8x128x32xf32, #tpu.memory_space<vmem>> -> memref<1x128x32xf32, #tpu.memory_space<vmem>>
      %dma_wait3A_142 = tpu.memref_squeeze %dma_wait3A_141 : memref<1x128x32xf32, #tpu.memory_space<vmem>> -> memref<128x32xf32, #tpu.memory_space<vmem>>
      %dma_wait3A_143 = arith.constant 0 : i32
      %dma_wait3A_144 = tpu.memref_slice %arg5[%add3A_26, %dma_wait3A_143] : memref<128x128xi32, #tpu.memory_space<vmem>> -> memref<1x128xi32, #tpu.memory_space<vmem>>
      %dma_wait3A_145 = tpu.memref_squeeze %dma_wait3A_144 : memref<1x128xi32, #tpu.memory_space<vmem>> -> memref<128xi32, #tpu.memory_space<vmem>>
      %dma_wait3A_146 = arith.constant 0 : i32
      %dma_wait3A_147 = arith.constant 0 : i32
      %dma_wait3A_148 = tpu.memref_slice %arg2[%dma_wait3A_146, %dma_wait3A_147] : memref<1000x32xf32, #tpu.memory_space<hbm>> -> memref<1000x32xf32, #tpu.memory_space<hbm>>
      tpu.wait_indirect_dma semaphore(%arg7 : memref<!tpu.dma_semaphore, #tpu.memory_space<semaphore_mem>>) src(%dma_wait3A_148 : memref<1000x32xf32, #tpu.memory_space<hbm>>) dst(%dma_wait3A_142 : memref<128x32xf32, #tpu.memory_space<vmem>>)
      %dma_wait3A_149 = arith.constant 2 : i32
      %dma_wait3A_150 = arith.constant 0 : i32
      %dma_wait3A_151 = arith.constant 0 : i32
      %dma_wait3A_152 = tpu.memref_slice %arg6[%dma_wait3A_149, %dma_wait3A_150, %dma_wait3A_151] : memref<8x128x32xf32, #tpu.memory_space<vmem>> -> memref<1x128x32xf32, #tpu.memory_space<vmem>>
      %dma_wait3A_153 = tpu.memref_squeeze %dma_wait3A_152 : memref<1x128x32xf32, #tpu.memory_space<vmem>> -> memref<128x32xf32, #tpu.memory_space<vmem>>
      %dma_wait3A_154 = arith.constant 0 : i32
      %dma_wait3A_155 = tpu.memref_slice %arg5[%add3A_41, %dma_wait3A_154] : memref<128x128xi32, #tpu.memory_space<vmem>> -> memref<1x128xi32, #tpu.memory_space<vmem>>
      %dma_wait3A_156 = tpu.memref_squeeze %dma_wait3A_155 : memref<1x128xi32, #tpu.memory_space<vmem>> -> memref<128xi32, #tpu.memory_space<vmem>>
      %dma_wait3A_157 = arith.constant 0 : i32
      %dma_wait3A_158 = arith.constant 0 : i32
      %dma_wait3A_159 = tpu.memref_slice %arg2[%dma_wait3A_157, %dma_wait3A_158] : memref<1000x32xf32, #tpu.memory_space<hbm>> -> memref<1000x32xf32, #tpu.memory_space<hbm>>
      tpu.wait_indirect_dma semaphore(%arg7 : memref<!tpu.dma_semaphore, #tpu.memory_space<semaphore_mem>>) src(%dma_wait3A_159 : memref<1000x32xf32, #tpu.memory_space<hbm>>) dst(%dma_wait3A_153 : memref<128x32xf32, #tpu.memory_space<vmem>>)
      %dma_wait3A_160 = arith.constant 3 : i32
      %dma_wait3A_161 = arith.constant 0 : i32
      %dma_wait3A_162 = arith.constant 0 : i32
      %dma_wait3A_163 = tpu.memref_slice %arg6[%dma_wait3A_160, %dma_wait3A_161, %dma_wait3A_162] : memref<8x128x32xf32, #tpu.memory_space<vmem>> -> memref<1x128x32xf32, #tpu.memory_space<vmem>>
      %dma_wait3A_164 = tpu.memref_squeeze %dma_wait3A_163 : memref<1x128x32xf32, #tpu.memory_space<vmem>> -> memref<128x32xf32, #tpu.memory_space<vmem>>
      %dma_wait3A_165 = arith.constant 0 : i32
      %dma_wait3A_166 = tpu.memref_slice %arg5[%add3A_56, %dma_wait3A_165] : memref<128x128xi32, #tpu.memory_space<vmem>> -> memref<1x128xi32, #tpu.memory_space<vmem>>
      %dma_wait3A_167 = tpu.memref_squeeze %dma_wait3A_166 : memref<1x128xi32, #tpu.memory_space<vmem>> -> memref<128xi32, #tpu.memory_space<vmem>>
      %dma_wait3A_168 = arith.constant 0 : i32
      %dma_wait3A_169 = arith.constant 0 : i32
      %dma_wait3A_170 = tpu.memref_slice %arg2[%dma_wait3A_168, %dma_wait3A_169] : memref<1000x32xf32, #tpu.memory_space<hbm>> -> memref<1000x32xf32, #tpu.memory_space<hbm>>
      tpu.wait_indirect_dma semaphore(%arg7 : memref<!tpu.dma_semaphore, #tpu.memory_space<semaphore_mem>>) src(%dma_wait3A_170 : memref<1000x32xf32, #tpu.memory_space<hbm>>) dst(%dma_wait3A_164 : memref<128x32xf32, #tpu.memory_space<vmem>>)
      %dma_wait3A_171 = arith.constant 4 : i32
      %dma_wait3A_172 = arith.constant 0 : i32
      %dma_wait3A_173 = arith.constant 0 : i32
      %dma_wait3A_174 = tpu.memref_slice %arg6[%dma_wait3A_171, %dma_wait3A_172, %dma_wait3A_173] : memref<8x128x32xf32, #tpu.memory_space<vmem>> -> memref<1x128x32xf32, #tpu.memory_space<vmem>>
      %dma_wait3A_175 = tpu.memref_squeeze %dma_wait3A_174 : memref<1x128x32xf32, #tpu.memory_space<vmem>> -> memref<128x32xf32, #tpu.memory_space<vmem>>
      %dma_wait3A_176 = arith.constant 0 : i32
      %dma_wait3A_177 = tpu.memref_slice %arg5[%add3A_71, %dma_wait3A_176] : memref<128x128xi32, #tpu.memory_space<vmem>> -> memref<1x128xi32, #tpu.memory_space<vmem>>
      %dma_wait3A_178 = tpu.memref_squeeze %dma_wait3A_177 : memref<1x128xi32, #tpu.memory_space<vmem>> -> memref<128xi32, #tpu.memory_space<vmem>>
      %dma_wait3A_179 = arith.constant 0 : i32
      %dma_wait3A_180 = arith.constant 0 : i32
      %dma_wait3A_181 = tpu.memref_slice %arg2[%dma_wait3A_179, %dma_wait3A_180] : memref<1000x32xf32, #tpu.memory_space<hbm>> -> memref<1000x32xf32, #tpu.memory_space<hbm>>
      tpu.wait_indirect_dma semaphore(%arg7 : memref<!tpu.dma_semaphore, #tpu.memory_space<semaphore_mem>>) src(%dma_wait3A_181 : memref<1000x32xf32, #tpu.memory_space<hbm>>) dst(%dma_wait3A_175 : memref<128x32xf32, #tpu.memory_space<vmem>>)
      %dma_wait3A_182 = arith.constant 5 : i32
      %dma_wait3A_183 = arith.constant 0 : i32
      %dma_wait3A_184 = arith.constant 0 : i32
      %dma_wait3A_185 = tpu.memref_slice %arg6[%dma_wait3A_182, %dma_wait3A_183, %dma_wait3A_184] : memref<8x128x32xf32, #tpu.memory_space<vmem>> -> memref<1x128x32xf32, #tpu.memory_space<vmem>>
      %dma_wait3A_186 = tpu.memref_squeeze %dma_wait3A_185 : memref<1x128x32xf32, #tpu.memory_space<vmem>> -> memref<128x32xf32, #tpu.memory_space<vmem>>
      %dma_wait3A_187 = arith.constant 0 : i32
      %dma_wait3A_188 = tpu.memref_slice %arg5[%add3A_86, %dma_wait3A_187] : memref<128x128xi32, #tpu.memory_space<vmem>> -> memref<1x128xi32, #tpu.memory_space<vmem>>
      %dma_wait3A_189 = tpu.memref_squeeze %dma_wait3A_188 : memref<1x128xi32, #tpu.memory_space<vmem>> -> memref<128xi32, #tpu.memory_space<vmem>>
      %dma_wait3A_190 = arith.constant 0 : i32
      %dma_wait3A_191 = arith.constant 0 : i32
      %dma_wait3A_192 = tpu.memref_slice %arg2[%dma_wait3A_190, %dma_wait3A_191] : memref<1000x32xf32, #tpu.memory_space<hbm>> -> memref<1000x32xf32, #tpu.memory_space<hbm>>
      tpu.wait_indirect_dma semaphore(%arg7 : memref<!tpu.dma_semaphore, #tpu.memory_space<semaphore_mem>>) src(%dma_wait3A_192 : memref<1000x32xf32, #tpu.memory_space<hbm>>) dst(%dma_wait3A_186 : memref<128x32xf32, #tpu.memory_space<vmem>>)
      %dma_wait3A_193 = arith.constant 6 : i32
      %dma_wait3A_194 = arith.constant 0 : i32
      %dma_wait3A_195 = arith.constant 0 : i32
      %dma_wait3A_196 = tpu.memref_slice %arg6[%dma_wait3A_193, %dma_wait3A_194, %dma_wait3A_195] : memref<8x128x32xf32, #tpu.memory_space<vmem>> -> memref<1x128x32xf32, #tpu.memory_space<vmem>>
      %dma_wait3A_197 = tpu.memref_squeeze %dma_wait3A_196 : memref<1x128x32xf32, #tpu.memory_space<vmem>> -> memref<128x32xf32, #tpu.memory_space<vmem>>
      %dma_wait3A_198 = arith.constant 0 : i32
      %dma_wait3A_199 = tpu.memref_slice %arg5[%add3A_101, %dma_wait3A_198] : memref<128x128xi32, #tpu.memory_space<vmem>> -> memref<1x128xi32, #tpu.memory_space<vmem>>
      %dma_wait3A_200 = tpu.memref_squeeze %dma_wait3A_199 : memref<1x128xi32, #tpu.memory_space<vmem>> -> memref<128xi32, #tpu.memory_space<vmem>>
      %dma_wait3A_201 = arith.constant 0 : i32
      %dma_wait3A_202 = arith.constant 0 : i32
      %dma_wait3A_203 = tpu.memref_slice %arg2[%dma_wait3A_201, %dma_wait3A_202] : memref<1000x32xf32, #tpu.memory_space<hbm>> -> memref<1000x32xf32, #tpu.memory_space<hbm>>
      tpu.wait_indirect_dma semaphore(%arg7 : memref<!tpu.dma_semaphore, #tpu.memory_space<semaphore_mem>>) src(%dma_wait3A_203 : memref<1000x32xf32, #tpu.memory_space<hbm>>) dst(%dma_wait3A_197 : memref<128x32xf32, #tpu.memory_space<vmem>>)
      %dma_wait3A_204 = arith.constant 7 : i32
      %dma_wait3A_205 = arith.constant 0 : i32
      %dma_wait3A_206 = arith.constant 0 : i32
      %dma_wait3A_207 = tpu.memref_slice %arg6[%dma_wait3A_204, %dma_wait3A_205, %dma_wait3A_206] : memref<8x128x32xf32, #tpu.memory_space<vmem>> -> memref<1x128x32xf32, #tpu.memory_space<vmem>>
      %dma_wait3A_208 = tpu.memref_squeeze %dma_wait3A_207 : memref<1x128x32xf32, #tpu.memory_space<vmem>> -> memref<128x32xf32, #tpu.memory_space<vmem>>
      %dma_wait3A_209 = arith.constant 0 : i32
      %dma_wait3A_210 = tpu.memref_slice %arg5[%add3A_116, %dma_wait3A_209] : memref<128x128xi32, #tpu.memory_space<vmem>> -> memref<1x128xi32, #tpu.memory_space<vmem>>
      %dma_wait3A_211 = tpu.memref_squeeze %dma_wait3A_210 : memref<1x128xi32, #tpu.memory_space<vmem>> -> memref<128xi32, #tpu.memory_space<vmem>>
      %dma_wait3A_212 = arith.constant 0 : i32
      %dma_wait3A_213 = arith.constant 0 : i32
      %dma_wait3A_214 = tpu.memref_slice %arg2[%dma_wait3A_212, %dma_wait3A_213] : memref<1000x32xf32, #tpu.memory_space<hbm>> -> memref<1000x32xf32, #tpu.memory_space<hbm>>
      tpu.wait_indirect_dma semaphore(%arg7 : memref<!tpu.dma_semaphore, #tpu.memory_space<semaphore_mem>>) src(%dma_wait3A_214 : memref<1000x32xf32, #tpu.memory_space<hbm>>) dst(%dma_wait3A_208 : memref<128x32xf32, #tpu.memory_space<vmem>>)
      %mul3A_215 = arith.constant 8 : i32
      %mul3A_216 = arith.muli %scan3A_8, %mul3A_215 : i32
      %add3A_217 = arith.addi %mul3A_2, %mul3A_216 : i32
      %add3A_218 = arith.constant 0 : i32
      %add3A_219 = arith.addi %add3A_217, %add3A_218 : i32
      %run_scoped3A = arith.constant 0 : i32
      "tpu.region"() ({
        %run_scoped3A_262 = tpu.sem_alloc : memref<!tpu.dma_semaphore, #tpu.memory_space<semaphore_mem>>
        %dma_start3A_263 = arith.constant 0 : i32
        %dma_start3A_264 = arith.constant 0 : i32
        %dma_start3A_265 = tpu.memref_slice %arg6[%run_scoped3A, %dma_start3A_263, %dma_start3A_264] : memref<8x128x32xf32, #tpu.memory_space<vmem>> -> memref<1x128x32xf32, #tpu.memory_space<vmem>>
        %dma_start3A_266 = tpu.memref_squeeze %dma_start3A_265 : memref<1x128x32xf32, #tpu.memory_space<vmem>> -> memref<128x32xf32, #tpu.memory_space<vmem>>
        %dma_start3A_267 = arith.constant 0 : i32
        %dma_start3A_268 = arith.constant 0 : i32
        %dma_start3A_269 = tpu.memref_slice %arg4[%add3A_219, %dma_start3A_267, %dma_start3A_268] : memref<4096x128x32xf32, #tpu.memory_space<hbm>> -> memref<1x128x32xf32, #tpu.memory_space<hbm>>
        %dma_start3A_270 = tpu.memref_squeeze %dma_start3A_269 : memref<1x128x32xf32, #tpu.memory_space<hbm>> -> memref<128x32xf32, #tpu.memory_space<hbm>>
        %dma_start3A_271 = arith.constant 0 : i32
        %dma_start3A_272 = arith.constant 0 : i32
        %dma_start3A_273 = tpu.memref_slice %arg4[%add3A_219, %dma_start3A_271, %dma_start3A_272] : memref<4096x128x32xf32, #tpu.memory_space<hbm>> -> memref<1x128x32xf32, #tpu.memory_space<hbm>>
        %dma_start3A_274 = tpu.memref_squeeze %dma_start3A_273 : memref<1x128x32xf32, #tpu.memory_space<hbm>> -> memref<128x32xf32, #tpu.memory_space<hbm>>
        %dma_start3A_275 = arith.constant 0 : i32
        %dma_start3A_276 = arith.constant 0 : i32
        %dma_start3A_277 = tpu.memref_slice %arg6[%run_scoped3A, %dma_start3A_275, %dma_start3A_276] : memref<8x128x32xf32, #tpu.memory_space<vmem>> -> memref<1x128x32xf32, #tpu.memory_space<vmem>>
        %dma_start3A_278 = tpu.memref_squeeze %dma_start3A_277 : memref<1x128x32xf32, #tpu.memory_space<vmem>> -> memref<128x32xf32, #tpu.memory_space<vmem>>
        tpu.enqueue_dma source(%dma_start3A_278 : memref<128x32xf32, #tpu.memory_space<vmem>>) target(%dma_start3A_274 : memref<128x32xf32, #tpu.memory_space<hbm>>) target_semaphore(%run_scoped3A_262 : memref<!tpu.dma_semaphore, #tpu.memory_space<semaphore_mem>>)
        %dma_wait3A_279 = arith.constant 0 : i32
        %dma_wait3A_280 = arith.constant 0 : i32
        %dma_wait3A_281 = tpu.memref_slice %arg6[%run_scoped3A, %dma_wait3A_279, %dma_wait3A_280] : memref<8x128x32xf32, #tpu.memory_space<vmem>> -> memref<1x128x32xf32, #tpu.memory_space<vmem>>
        %dma_wait3A_282 = tpu.memref_squeeze %dma_wait3A_281 : memref<1x128x32xf32, #tpu.memory_space<vmem>> -> memref<128x32xf32, #tpu.memory_space<vmem>>
        %dma_wait3A_283 = arith.constant 0 : i32
        %dma_wait3A_284 = arith.constant 0 : i32
        %dma_wait3A_285 = tpu.memref_slice %arg4[%add3A_219, %dma_wait3A_283, %dma_wait3A_284] : memref<4096x128x32xf32, #tpu.memory_space<hbm>> -> memref<1x128x32xf32, #tpu.memory_space<hbm>>
        %dma_wait3A_286 = tpu.memref_squeeze %dma_wait3A_285 : memref<1x128x32xf32, #tpu.memory_space<hbm>> -> memref<128x32xf32, #tpu.memory_space<hbm>>
        %dma_wait3A_287 = arith.constant 0 : i32
        %dma_wait3A_288 = arith.constant 0 : i32
        %dma_wait3A_289 = tpu.memref_slice %arg4[%add3A_219, %dma_wait3A_287, %dma_wait3A_288] : memref<4096x128x32xf32, #tpu.memory_space<hbm>> -> memref<1x128x32xf32, #tpu.memory_space<hbm>>
        %dma_wait3A_290 = tpu.memref_squeeze %dma_wait3A_289 : memref<1x128x32xf32, #tpu.memory_space<hbm>> -> memref<128x32xf32, #tpu.memory_space<hbm>>
        %dma_wait3A_291 = arith.constant 0 : i32
        %dma_wait3A_292 = arith.constant 0 : i32
        %dma_wait3A_293 = tpu.memref_slice %arg6[%run_scoped3A, %dma_wait3A_291, %dma_wait3A_292] : memref<8x128x32xf32, #tpu.memory_space<vmem>> -> memref<1x128x32xf32, #tpu.memory_space<vmem>>
        %dma_wait3A_294 = tpu.memref_squeeze %dma_wait3A_293 : memref<1x128x32xf32, #tpu.memory_space<vmem>> -> memref<128x32xf32, #tpu.memory_space<vmem>>
        tpu.wait_dma2 semaphore(%run_scoped3A_262 : memref<!tpu.dma_semaphore, #tpu.memory_space<semaphore_mem>>) src(%dma_wait3A_294 : memref<128x32xf32, #tpu.memory_space<vmem>>) dst(%dma_wait3A_290 : memref<128x32xf32, #tpu.memory_space<hbm>>)
        tpu.yield
      }) : () -> ()
      %mul3A_220 = arith.constant 8 : i32
      %mul3A_221 = arith.muli %scan3A_8, %mul3A_220 : i32
      %add3A_222 = arith.addi %mul3A_2, %mul3A_221 : i32
      %add3A_223 = arith.constant 1 : i32
      %add3A_224 = arith.addi %add3A_222, %add3A_223 : i32
      %run_scoped3A_225 = arith.constant 1 : i32
      "tpu.region"() ({
        %run_scoped3A_262 = tpu.sem_alloc : memref<!tpu.dma_semaphore, #tpu.memory_space<semaphore_mem>>
        %dma_start3A_263 = arith.constant 0 : i32
        %dma_start3A_264 = arith.constant 0 : i32
        %dma_start3A_265 = tpu.memref_slice %arg6[%run_scoped3A_225, %dma_start3A_263, %dma_start3A_264] : memref<8x128x32xf32, #tpu.memory_space<vmem>> -> memref<1x128x32xf32, #tpu.memory_space<vmem>>
        %dma_start3A_266 = tpu.memref_squeeze %dma_start3A_265 : memref<1x128x32xf32, #tpu.memory_space<vmem>> -> memref<128x32xf32, #tpu.memory_space<vmem>>
        %dma_start3A_267 = arith.constant 0 : i32
        %dma_start3A_268 = arith.constant 0 : i32
        %dma_start3A_269 = tpu.memref_slice %arg4[%add3A_224, %dma_start3A_267, %dma_start3A_268] : memref<4096x128x32xf32, #tpu.memory_space<hbm>> -> memref<1x128x32xf32, #tpu.memory_space<hbm>>
        %dma_start3A_270 = tpu.memref_squeeze %dma_start3A_269 : memref<1x128x32xf32, #tpu.memory_space<hbm>> -> memref<128x32xf32, #tpu.memory_space<hbm>>
        %dma_start3A_271 = arith.constant 0 : i32
        %dma_start3A_272 = arith.constant 0 : i32
        %dma_start3A_273 = tpu.memref_slice %arg4[%add3A_224, %dma_start3A_271, %dma_start3A_272] : memref<4096x128x32xf32, #tpu.memory_space<hbm>> -> memref<1x128x32xf32, #tpu.memory_space<hbm>>
        %dma_start3A_274 = tpu.memref_squeeze %dma_start3A_273 : memref<1x128x32xf32, #tpu.memory_space<hbm>> -> memref<128x32xf32, #tpu.memory_space<hbm>>
        %dma_start3A_275 = arith.constant 0 : i32
        %dma_start3A_276 = arith.constant 0 : i32
        %dma_start3A_277 = tpu.memref_slice %arg6[%run_scoped3A_225, %dma_start3A_275, %dma_start3A_276] : memref<8x128x32xf32, #tpu.memory_space<vmem>> -> memref<1x128x32xf32, #tpu.memory_space<vmem>>
        %dma_start3A_278 = tpu.memref_squeeze %dma_start3A_277 : memref<1x128x32xf32, #tpu.memory_space<vmem>> -> memref<128x32xf32, #tpu.memory_space<vmem>>
        tpu.enqueue_dma source(%dma_start3A_278 : memref<128x32xf32, #tpu.memory_space<vmem>>) target(%dma_start3A_274 : memref<128x32xf32, #tpu.memory_space<hbm>>) target_semaphore(%run_scoped3A_262 : memref<!tpu.dma_semaphore, #tpu.memory_space<semaphore_mem>>)
        %dma_wait3A_279 = arith.constant 0 : i32
        %dma_wait3A_280 = arith.constant 0 : i32
        %dma_wait3A_281 = tpu.memref_slice %arg6[%run_scoped3A_225, %dma_wait3A_279, %dma_wait3A_280] : memref<8x128x32xf32, #tpu.memory_space<vmem>> -> memref<1x128x32xf32, #tpu.memory_space<vmem>>
        %dma_wait3A_282 = tpu.memref_squeeze %dma_wait3A_281 : memref<1x128x32xf32, #tpu.memory_space<vmem>> -> memref<128x32xf32, #tpu.memory_space<vmem>>
        %dma_wait3A_283 = arith.constant 0 : i32
        %dma_wait3A_284 = arith.constant 0 : i32
        %dma_wait3A_285 = tpu.memref_slice %arg4[%add3A_224, %dma_wait3A_283, %dma_wait3A_284] : memref<4096x128x32xf32, #tpu.memory_space<hbm>> -> memref<1x128x32xf32, #tpu.memory_space<hbm>>
        %dma_wait3A_286 = tpu.memref_squeeze %dma_wait3A_285 : memref<1x128x32xf32, #tpu.memory_space<hbm>> -> memref<128x32xf32, #tpu.memory_space<hbm>>
        %dma_wait3A_287 = arith.constant 0 : i32
        %dma_wait3A_288 = arith.constant 0 : i32
        %dma_wait3A_289 = tpu.memref_slice %arg4[%add3A_224, %dma_wait3A_287, %dma_wait3A_288] : memref<4096x128x32xf32, #tpu.memory_space<hbm>> -> memref<1x128x32xf32, #tpu.memory_space<hbm>>
        %dma_wait3A_290 = tpu.memref_squeeze %dma_wait3A_289 : memref<1x128x32xf32, #tpu.memory_space<hbm>> -> memref<128x32xf32, #tpu.memory_space<hbm>>
        %dma_wait3A_291 = arith.constant 0 : i32
        %dma_wait3A_292 = arith.constant 0 : i32
        %dma_wait3A_293 = tpu.memref_slice %arg6[%run_scoped3A_225, %dma_wait3A_291, %dma_wait3A_292] : memref<8x128x32xf32, #tpu.memory_space<vmem>> -> memref<1x128x32xf32, #tpu.memory_space<vmem>>
        %dma_wait3A_294 = tpu.memref_squeeze %dma_wait3A_293 : memref<1x128x32xf32, #tpu.memory_space<vmem>> -> memref<128x32xf32, #tpu.memory_space<vmem>>
        tpu.wait_dma2 semaphore(%run_scoped3A_262 : memref<!tpu.dma_semaphore, #tpu.memory_space<semaphore_mem>>) src(%dma_wait3A_294 : memref<128x32xf32, #tpu.memory_space<vmem>>) dst(%dma_wait3A_290 : memref<128x32xf32, #tpu.memory_space<hbm>>)
        tpu.yield
      }) : () -> ()
      %mul3A_226 = arith.constant 8 : i32
      %mul3A_227 = arith.muli %scan3A_8, %mul3A_226 : i32
      %add3A_228 = arith.addi %mul3A_2, %mul3A_227 : i32
      %add3A_229 = arith.constant 2 : i32
      %add3A_230 = arith.addi %add3A_228, %add3A_229 : i32
      %run_scoped3A_231 = arith.constant 2 : i32
      "tpu.region"() ({
        %run_scoped3A_262 = tpu.sem_alloc : memref<!tpu.dma_semaphore, #tpu.memory_space<semaphore_mem>>
        %dma_start3A_263 = arith.constant 0 : i32
        %dma_start3A_264 = arith.constant 0 : i32
        %dma_start3A_265 = tpu.memref_slice %arg6[%run_scoped3A_231, %dma_start3A_263, %dma_start3A_264] : memref<8x128x32xf32, #tpu.memory_space<vmem>> -> memref<1x128x32xf32, #tpu.memory_space<vmem>>
        %dma_start3A_266 = tpu.memref_squeeze %dma_start3A_265 : memref<1x128x32xf32, #tpu.memory_space<vmem>> -> memref<128x32xf32, #tpu.memory_space<vmem>>
        %dma_start3A_267 = arith.constant 0 : i32
        %dma_start3A_268 = arith.constant 0 : i32
        %dma_start3A_269 = tpu.memref_slice %arg4[%add3A_230, %dma_start3A_267, %dma_start3A_268] : memref<4096x128x32xf32, #tpu.memory_space<hbm>> -> memref<1x128x32xf32, #tpu.memory_space<hbm>>
        %dma_start3A_270 = tpu.memref_squeeze %dma_start3A_269 : memref<1x128x32xf32, #tpu.memory_space<hbm>> -> memref<128x32xf32, #tpu.memory_space<hbm>>
        %dma_start3A_271 = arith.constant 0 : i32
        %dma_start3A_272 = arith.constant 0 : i32
        %dma_start3A_273 = tpu.memref_slice %arg4[%add3A_230, %dma_start3A_271, %dma_start3A_272] : memref<4096x128x32xf32, #tpu.memory_space<hbm>> -> memref<1x128x32xf32, #tpu.memory_space<hbm>>
        %dma_start3A_274 = tpu.memref_squeeze %dma_start3A_273 : memref<1x128x32xf32, #tpu.memory_space<hbm>> -> memref<128x32xf32, #tpu.memory_space<hbm>>
        %dma_start3A_275 = arith.constant 0 : i32
        %dma_start3A_276 = arith.constant 0 : i32
        %dma_start3A_277 = tpu.memref_slice %arg6[%run_scoped3A_231, %dma_start3A_275, %dma_start3A_276] : memref<8x128x32xf32, #tpu.memory_space<vmem>> -> memref<1x128x32xf32, #tpu.memory_space<vmem>>
        %dma_start3A_278 = tpu.memref_squeeze %dma_start3A_277 : memref<1x128x32xf32, #tpu.memory_space<vmem>> -> memref<128x32xf32, #tpu.memory_space<vmem>>
        tpu.enqueue_dma source(%dma_start3A_278 : memref<128x32xf32, #tpu.memory_space<vmem>>) target(%dma_start3A_274 : memref<128x32xf32, #tpu.memory_space<hbm>>) target_semaphore(%run_scoped3A_262 : memref<!tpu.dma_semaphore, #tpu.memory_space<semaphore_mem>>)
        %dma_wait3A_279 = arith.constant 0 : i32
        %dma_wait3A_280 = arith.constant 0 : i32
        %dma_wait3A_281 = tpu.memref_slice %arg6[%run_scoped3A_231, %dma_wait3A_279, %dma_wait3A_280] : memref<8x128x32xf32, #tpu.memory_space<vmem>> -> memref<1x128x32xf32, #tpu.memory_space<vmem>>
        %dma_wait3A_282 = tpu.memref_squeeze %dma_wait3A_281 : memref<1x128x32xf32, #tpu.memory_space<vmem>> -> memref<128x32xf32, #tpu.memory_space<vmem>>
        %dma_wait3A_283 = arith.constant 0 : i32
        %dma_wait3A_284 = arith.constant 0 : i32
        %dma_wait3A_285 = tpu.memref_slice %arg4[%add3A_230, %dma_wait3A_283, %dma_wait3A_284] : memref<4096x128x32xf32, #tpu.memory_space<hbm>> -> memref<1x128x32xf32, #tpu.memory_space<hbm>>
        %dma_wait3A_286 = tpu.memref_squeeze %dma_wait3A_285 : memref<1x128x32xf32, #tpu.memory_space<hbm>> -> memref<128x32xf32, #tpu.memory_space<hbm>>
        %dma_wait3A_287 = arith.constant 0 : i32
        %dma_wait3A_288 = arith.constant 0 : i32
        %dma_wait3A_289 = tpu.memref_slice %arg4[%add3A_230, %dma_wait3A_287, %dma_wait3A_288] : memref<4096x128x32xf32, #tpu.memory_space<hbm>> -> memref<1x128x32xf32, #tpu.memory_space<hbm>>
        %dma_wait3A_290 = tpu.memref_squeeze %dma_wait3A_289 : memref<1x128x32xf32, #tpu.memory_space<hbm>> -> memref<128x32xf32, #tpu.memory_space<hbm>>
        %dma_wait3A_291 = arith.constant 0 : i32
        %dma_wait3A_292 = arith.constant 0 : i32
        %dma_wait3A_293 = tpu.memref_slice %arg6[%run_scoped3A_231, %dma_wait3A_291, %dma_wait3A_292] : memref<8x128x32xf32, #tpu.memory_space<vmem>> -> memref<1x128x32xf32, #tpu.memory_space<vmem>>
        %dma_wait3A_294 = tpu.memref_squeeze %dma_wait3A_293 : memref<1x128x32xf32, #tpu.memory_space<vmem>> -> memref<128x32xf32, #tpu.memory_space<vmem>>
        tpu.wait_dma2 semaphore(%run_scoped3A_262 : memref<!tpu.dma_semaphore, #tpu.memory_space<semaphore_mem>>) src(%dma_wait3A_294 : memref<128x32xf32, #tpu.memory_space<vmem>>) dst(%dma_wait3A_290 : memref<128x32xf32, #tpu.memory_space<hbm>>)
        tpu.yield
      }) : () -> ()
      %mul3A_232 = arith.constant 8 : i32
      %mul3A_233 = arith.muli %scan3A_8, %mul3A_232 : i32
      %add3A_234 = arith.addi %mul3A_2, %mul3A_233 : i32
      %add3A_235 = arith.constant 3 : i32
      %add3A_236 = arith.addi %add3A_234, %add3A_235 : i32
      %run_scoped3A_237 = arith.constant 3 : i32
      "tpu.region"() ({
        %run_scoped3A_262 = tpu.sem_alloc : memref<!tpu.dma_semaphore, #tpu.memory_space<semaphore_mem>>
        %dma_start3A_263 = arith.constant 0 : i32
        %dma_start3A_264 = arith.constant 0 : i32
        %dma_start3A_265 = tpu.memref_slice %arg6[%run_scoped3A_237, %dma_start3A_263, %dma_start3A_264] : memref<8x128x32xf32, #tpu.memory_space<vmem>> -> memref<1x128x32xf32, #tpu.memory_space<vmem>>
        %dma_start3A_266 = tpu.memref_squeeze %dma_start3A_265 : memref<1x128x32xf32, #tpu.memory_space<vmem>> -> memref<128x32xf32, #tpu.memory_space<vmem>>
        %dma_start3A_267 = arith.constant 0 : i32
        %dma_start3A_268 = arith.constant 0 : i32
        %dma_start3A_269 = tpu.memref_slice %arg4[%add3A_236, %dma_start3A_267, %dma_start3A_268] : memref<4096x128x32xf32, #tpu.memory_space<hbm>> -> memref<1x128x32xf32, #tpu.memory_space<hbm>>
        %dma_start3A_270 = tpu.memref_squeeze %dma_start3A_269 : memref<1x128x32xf32, #tpu.memory_space<hbm>> -> memref<128x32xf32, #tpu.memory_space<hbm>>
        %dma_start3A_271 = arith.constant 0 : i32
        %dma_start3A_272 = arith.constant 0 : i32
        %dma_start3A_273 = tpu.memref_slice %arg4[%add3A_236, %dma_start3A_271, %dma_start3A_272] : memref<4096x128x32xf32, #tpu.memory_space<hbm>> -> memref<1x128x32xf32, #tpu.memory_space<hbm>>
        %dma_start3A_274 = tpu.memref_squeeze %dma_start3A_273 : memref<1x128x32xf32, #tpu.memory_space<hbm>> -> memref<128x32xf32, #tpu.memory_space<hbm>>
        %dma_start3A_275 = arith.constant 0 : i32
        %dma_start3A_276 = arith.constant 0 : i32
        %dma_start3A_277 = tpu.memref_slice %arg6[%run_scoped3A_237, %dma_start3A_275, %dma_start3A_276] : memref<8x128x32xf32, #tpu.memory_space<vmem>> -> memref<1x128x32xf32, #tpu.memory_space<vmem>>
        %dma_start3A_278 = tpu.memref_squeeze %dma_start3A_277 : memref<1x128x32xf32, #tpu.memory_space<vmem>> -> memref<128x32xf32, #tpu.memory_space<vmem>>
        tpu.enqueue_dma source(%dma_start3A_278 : memref<128x32xf32, #tpu.memory_space<vmem>>) target(%dma_start3A_274 : memref<128x32xf32, #tpu.memory_space<hbm>>) target_semaphore(%run_scoped3A_262 : memref<!tpu.dma_semaphore, #tpu.memory_space<semaphore_mem>>)
        %dma_wait3A_279 = arith.constant 0 : i32
        %dma_wait3A_280 = arith.constant 0 : i32
        %dma_wait3A_281 = tpu.memref_slice %arg6[%run_scoped3A_237, %dma_wait3A_279, %dma_wait3A_280] : memref<8x128x32xf32, #tpu.memory_space<vmem>> -> memref<1x128x32xf32, #tpu.memory_space<vmem>>
        %dma_wait3A_282 = tpu.memref_squeeze %dma_wait3A_281 : memref<1x128x32xf32, #tpu.memory_space<vmem>> -> memref<128x32xf32, #tpu.memory_space<vmem>>
        %dma_wait3A_283 = arith.constant 0 : i32
        %dma_wait3A_284 = arith.constant 0 : i32
        %dma_wait3A_285 = tpu.memref_slice %arg4[%add3A_236, %dma_wait3A_283, %dma_wait3A_284] : memref<4096x128x32xf32, #tpu.memory_space<hbm>> -> memref<1x128x32xf32, #tpu.memory_space<hbm>>
        %dma_wait3A_286 = tpu.memref_squeeze %dma_wait3A_285 : memref<1x128x32xf32, #tpu.memory_space<hbm>> -> memref<128x32xf32, #tpu.memory_space<hbm>>
        %dma_wait3A_287 = arith.constant 0 : i32
        %dma_wait3A_288 = arith.constant 0 : i32
        %dma_wait3A_289 = tpu.memref_slice %arg4[%add3A_236, %dma_wait3A_287, %dma_wait3A_288] : memref<4096x128x32xf32, #tpu.memory_space<hbm>> -> memref<1x128x32xf32, #tpu.memory_space<hbm>>
        %dma_wait3A_290 = tpu.memref_squeeze %dma_wait3A_289 : memref<1x128x32xf32, #tpu.memory_space<hbm>> -> memref<128x32xf32, #tpu.memory_space<hbm>>
        %dma_wait3A_291 = arith.constant 0 : i32
        %dma_wait3A_292 = arith.constant 0 : i32
        %dma_wait3A_293 = tpu.memref_slice %arg6[%run_scoped3A_237, %dma_wait3A_291, %dma_wait3A_292] : memref<8x128x32xf32, #tpu.memory_space<vmem>> -> memref<1x128x32xf32, #tpu.memory_space<vmem>>
        %dma_wait3A_294 = tpu.memref_squeeze %dma_wait3A_293 : memref<1x128x32xf32, #tpu.memory_space<vmem>> -> memref<128x32xf32, #tpu.memory_space<vmem>>
        tpu.wait_dma2 semaphore(%run_scoped3A_262 : memref<!tpu.dma_semaphore, #tpu.memory_space<semaphore_mem>>) src(%dma_wait3A_294 : memref<128x32xf32, #tpu.memory_space<vmem>>) dst(%dma_wait3A_290 : memref<128x32xf32, #tpu.memory_space<hbm>>)
        tpu.yield
      }) : () -> ()
      %mul3A_238 = arith.constant 8 : i32
      %mul3A_239 = arith.muli %scan3A_8, %mul3A_238 : i32
      %add3A_240 = arith.addi %mul3A_2, %mul3A_239 : i32
      %add3A_241 = arith.constant 4 : i32
      %add3A_242 = arith.addi %add3A_240, %add3A_241 : i32
      %run_scoped3A_243 = arith.constant 4 : i32
      "tpu.region"() ({
        %run_scoped3A_262 = tpu.sem_alloc : memref<!tpu.dma_semaphore, #tpu.memory_space<semaphore_mem>>
        %dma_start3A_263 = arith.constant 0 : i32
        %dma_start3A_264 = arith.constant 0 : i32
        %dma_start3A_265 = tpu.memref_slice %arg6[%run_scoped3A_243, %dma_start3A_263, %dma_start3A_264] : memref<8x128x32xf32, #tpu.memory_space<vmem>> -> memref<1x128x32xf32, #tpu.memory_space<vmem>>
        %dma_start3A_266 = tpu.memref_squeeze %dma_start3A_265 : memref<1x128x32xf32, #tpu.memory_space<vmem>> -> memref<128x32xf32, #tpu.memory_space<vmem>>
        %dma_start3A_267 = arith.constant 0 : i32
        %dma_start3A_268 = arith.constant 0 : i32
        %dma_start3A_269 = tpu.memref_slice %arg4[%add3A_242, %dma_start3A_267, %dma_start3A_268] : memref<4096x128x32xf32, #tpu.memory_space<hbm>> -> memref<1x128x32xf32, #tpu.memory_space<hbm>>
        %dma_start3A_270 = tpu.memref_squeeze %dma_start3A_269 : memref<1x128x32xf32, #tpu.memory_space<hbm>> -> memref<128x32xf32, #tpu.memory_space<hbm>>
        %dma_start3A_271 = arith.constant 0 : i32
        %dma_start3A_272 = arith.constant 0 : i32
        %dma_start3A_273 = tpu.memref_slice %arg4[%add3A_242, %dma_start3A_271, %dma_start3A_272] : memref<4096x128x32xf32, #tpu.memory_space<hbm>> -> memref<1x128x32xf32, #tpu.memory_space<hbm>>
        %dma_start3A_274 = tpu.memref_squeeze %dma_start3A_273 : memref<1x128x32xf32, #tpu.memory_space<hbm>> -> memref<128x32xf32, #tpu.memory_space<hbm>>
        %dma_start3A_275 = arith.constant 0 : i32
        %dma_start3A_276 = arith.constant 0 : i32
        %dma_start3A_277 = tpu.memref_slice %arg6[%run_scoped3A_243, %dma_start3A_275, %dma_start3A_276] : memref<8x128x32xf32, #tpu.memory_space<vmem>> -> memref<1x128x32xf32, #tpu.memory_space<vmem>>
        %dma_start3A_278 = tpu.memref_squeeze %dma_start3A_277 : memref<1x128x32xf32, #tpu.memory_space<vmem>> -> memref<128x32xf32, #tpu.memory_space<vmem>>
        tpu.enqueue_dma source(%dma_start3A_278 : memref<128x32xf32, #tpu.memory_space<vmem>>) target(%dma_start3A_274 : memref<128x32xf32, #tpu.memory_space<hbm>>) target_semaphore(%run_scoped3A_262 : memref<!tpu.dma_semaphore, #tpu.memory_space<semaphore_mem>>)
        %dma_wait3A_279 = arith.constant 0 : i32
        %dma_wait3A_280 = arith.constant 0 : i32
        %dma_wait3A_281 = tpu.memref_slice %arg6[%run_scoped3A_243, %dma_wait3A_279, %dma_wait3A_280] : memref<8x128x32xf32, #tpu.memory_space<vmem>> -> memref<1x128x32xf32, #tpu.memory_space<vmem>>
        %dma_wait3A_282 = tpu.memref_squeeze %dma_wait3A_281 : memref<1x128x32xf32, #tpu.memory_space<vmem>> -> memref<128x32xf32, #tpu.memory_space<vmem>>
        %dma_wait3A_283 = arith.constant 0 : i32
        %dma_wait3A_284 = arith.constant 0 : i32
        %dma_wait3A_285 = tpu.memref_slice %arg4[%add3A_242, %dma_wait3A_283, %dma_wait3A_284] : memref<4096x128x32xf32, #tpu.memory_space<hbm>> -> memref<1x128x32xf32, #tpu.memory_space<hbm>>
        %dma_wait3A_286 = tpu.memref_squeeze %dma_wait3A_285 : memref<1x128x32xf32, #tpu.memory_space<hbm>> -> memref<128x32xf32, #tpu.memory_space<hbm>>
        %dma_wait3A_287 = arith.constant 0 : i32
        %dma_wait3A_288 = arith.constant 0 : i32
        %dma_wait3A_289 = tpu.memref_slice %arg4[%add3A_242, %dma_wait3A_287, %dma_wait3A_288] : memref<4096x128x32xf32, #tpu.memory_space<hbm>> -> memref<1x128x32xf32, #tpu.memory_space<hbm>>
        %dma_wait3A_290 = tpu.memref_squeeze %dma_wait3A_289 : memref<1x128x32xf32, #tpu.memory_space<hbm>> -> memref<128x32xf32, #tpu.memory_space<hbm>>
        %dma_wait3A_291 = arith.constant 0 : i32
        %dma_wait3A_292 = arith.constant 0 : i32
        %dma_wait3A_293 = tpu.memref_slice %arg6[%run_scoped3A_243, %dma_wait3A_291, %dma_wait3A_292] : memref<8x128x32xf32, #tpu.memory_space<vmem>> -> memref<1x128x32xf32, #tpu.memory_space<vmem>>
        %dma_wait3A_294 = tpu.memref_squeeze %dma_wait3A_293 : memref<1x128x32xf32, #tpu.memory_space<vmem>> -> memref<128x32xf32, #tpu.memory_space<vmem>>
        tpu.wait_dma2 semaphore(%run_scoped3A_262 : memref<!tpu.dma_semaphore, #tpu.memory_space<semaphore_mem>>) src(%dma_wait3A_294 : memref<128x32xf32, #tpu.memory_space<vmem>>) dst(%dma_wait3A_290 : memref<128x32xf32, #tpu.memory_space<hbm>>)
        tpu.yield
      }) : () -> ()
      %mul3A_244 = arith.constant 8 : i32
      %mul3A_245 = arith.muli %scan3A_8, %mul3A_244 : i32
      %add3A_246 = arith.addi %mul3A_2, %mul3A_245 : i32
      %add3A_247 = arith.constant 5 : i32
      %add3A_248 = arith.addi %add3A_246, %add3A_247 : i32
      %run_scoped3A_249 = arith.constant 5 : i32
      "tpu.region"() ({
        %run_scoped3A_262 = tpu.sem_alloc : memref<!tpu.dma_semaphore, #tpu.memory_space<semaphore_mem>>
        %dma_start3A_263 = arith.constant 0 : i32
        %dma_start3A_264 = arith.constant 0 : i32
        %dma_start3A_265 = tpu.memref_slice %arg6[%run_scoped3A_249, %dma_start3A_263, %dma_start3A_264] : memref<8x128x32xf32, #tpu.memory_space<vmem>> -> memref<1x128x32xf32, #tpu.memory_space<vmem>>
        %dma_start3A_266 = tpu.memref_squeeze %dma_start3A_265 : memref<1x128x32xf32, #tpu.memory_space<vmem>> -> memref<128x32xf32, #tpu.memory_space<vmem>>
        %dma_start3A_267 = arith.constant 0 : i32
        %dma_start3A_268 = arith.constant 0 : i32
        %dma_start3A_269 = tpu.memref_slice %arg4[%add3A_248, %dma_start3A_267, %dma_start3A_268] : memref<4096x128x32xf32, #tpu.memory_space<hbm>> -> memref<1x128x32xf32, #tpu.memory_space<hbm>>
        %dma_start3A_270 = tpu.memref_squeeze %dma_start3A_269 : memref<1x128x32xf32, #tpu.memory_space<hbm>> -> memref<128x32xf32, #tpu.memory_space<hbm>>
        %dma_start3A_271 = arith.constant 0 : i32
        %dma_start3A_272 = arith.constant 0 : i32
        %dma_start3A_273 = tpu.memref_slice %arg4[%add3A_248, %dma_start3A_271, %dma_start3A_272] : memref<4096x128x32xf32, #tpu.memory_space<hbm>> -> memref<1x128x32xf32, #tpu.memory_space<hbm>>
        %dma_start3A_274 = tpu.memref_squeeze %dma_start3A_273 : memref<1x128x32xf32, #tpu.memory_space<hbm>> -> memref<128x32xf32, #tpu.memory_space<hbm>>
        %dma_start3A_275 = arith.constant 0 : i32
        %dma_start3A_276 = arith.constant 0 : i32
        %dma_start3A_277 = tpu.memref_slice %arg6[%run_scoped3A_249, %dma_start3A_275, %dma_start3A_276] : memref<8x128x32xf32, #tpu.memory_space<vmem>> -> memref<1x128x32xf32, #tpu.memory_space<vmem>>
        %dma_start3A_278 = tpu.memref_squeeze %dma_start3A_277 : memref<1x128x32xf32, #tpu.memory_space<vmem>> -> memref<128x32xf32, #tpu.memory_space<vmem>>
        tpu.enqueue_dma source(%dma_start3A_278 : memref<128x32xf32, #tpu.memory_space<vmem>>) target(%dma_start3A_274 : memref<128x32xf32, #tpu.memory_space<hbm>>) target_semaphore(%run_scoped3A_262 : memref<!tpu.dma_semaphore, #tpu.memory_space<semaphore_mem>>)
        %dma_wait3A_279 = arith.constant 0 : i32
        %dma_wait3A_280 = arith.constant 0 : i32
        %dma_wait3A_281 = tpu.memref_slice %arg6[%run_scoped3A_249, %dma_wait3A_279, %dma_wait3A_280] : memref<8x128x32xf32, #tpu.memory_space<vmem>> -> memref<1x128x32xf32, #tpu.memory_space<vmem>>
        %dma_wait3A_282 = tpu.memref_squeeze %dma_wait3A_281 : memref<1x128x32xf32, #tpu.memory_space<vmem>> -> memref<128x32xf32, #tpu.memory_space<vmem>>
        %dma_wait3A_283 = arith.constant 0 : i32
        %dma_wait3A_284 = arith.constant 0 : i32
        %dma_wait3A_285 = tpu.memref_slice %arg4[%add3A_248, %dma_wait3A_283, %dma_wait3A_284] : memref<4096x128x32xf32, #tpu.memory_space<hbm>> -> memref<1x128x32xf32, #tpu.memory_space<hbm>>
        %dma_wait3A_286 = tpu.memref_squeeze %dma_wait3A_285 : memref<1x128x32xf32, #tpu.memory_space<hbm>> -> memref<128x32xf32, #tpu.memory_space<hbm>>
        %dma_wait3A_287 = arith.constant 0 : i32
        %dma_wait3A_288 = arith.constant 0 : i32
        %dma_wait3A_289 = tpu.memref_slice %arg4[%add3A_248, %dma_wait3A_287, %dma_wait3A_288] : memref<4096x128x32xf32, #tpu.memory_space<hbm>> -> memref<1x128x32xf32, #tpu.memory_space<hbm>>
        %dma_wait3A_290 = tpu.memref_squeeze %dma_wait3A_289 : memref<1x128x32xf32, #tpu.memory_space<hbm>> -> memref<128x32xf32, #tpu.memory_space<hbm>>
        %dma_wait3A_291 = arith.constant 0 : i32
        %dma_wait3A_292 = arith.constant 0 : i32
        %dma_wait3A_293 = tpu.memref_slice %arg6[%run_scoped3A_249, %dma_wait3A_291, %dma_wait3A_292] : memref<8x128x32xf32, #tpu.memory_space<vmem>> -> memref<1x128x32xf32, #tpu.memory_space<vmem>>
        %dma_wait3A_294 = tpu.memref_squeeze %dma_wait3A_293 : memref<1x128x32xf32, #tpu.memory_space<vmem>> -> memref<128x32xf32, #tpu.memory_space<vmem>>
        tpu.wait_dma2 semaphore(%run_scoped3A_262 : memref<!tpu.dma_semaphore, #tpu.memory_space<semaphore_mem>>) src(%dma_wait3A_294 : memref<128x32xf32, #tpu.memory_space<vmem>>) dst(%dma_wait3A_290 : memref<128x32xf32, #tpu.memory_space<hbm>>)
        tpu.yield
      }) : () -> ()
      %mul3A_250 = arith.constant 8 : i32
      %mul3A_251 = arith.muli %scan3A_8, %mul3A_250 : i32
      %add3A_252 = arith.addi %mul3A_2, %mul3A_251 : i32
      %add3A_253 = arith.constant 6 : i32
      %add3A_254 = arith.addi %add3A_252, %add3A_253 : i32
      %run_scoped3A_255 = arith.constant 6 : i32
      "tpu.region"() ({
        %run_scoped3A_262 = tpu.sem_alloc : memref<!tpu.dma_semaphore, #tpu.memory_space<semaphore_mem>>
        %dma_start3A_263 = arith.constant 0 : i32
        %dma_start3A_264 = arith.constant 0 : i32
        %dma_start3A_265 = tpu.memref_slice %arg6[%run_scoped3A_255, %dma_start3A_263, %dma_start3A_264] : memref<8x128x32xf32, #tpu.memory_space<vmem>> -> memref<1x128x32xf32, #tpu.memory_space<vmem>>
        %dma_start3A_266 = tpu.memref_squeeze %dma_start3A_265 : memref<1x128x32xf32, #tpu.memory_space<vmem>> -> memref<128x32xf32, #tpu.memory_space<vmem>>
        %dma_start3A_267 = arith.constant 0 : i32
        %dma_start3A_268 = arith.constant 0 : i32
        %dma_start3A_269 = tpu.memref_slice %arg4[%add3A_254, %dma_start3A_267, %dma_start3A_268] : memref<4096x128x32xf32, #tpu.memory_space<hbm>> -> memref<1x128x32xf32, #tpu.memory_space<hbm>>
        %dma_start3A_270 = tpu.memref_squeeze %dma_start3A_269 : memref<1x128x32xf32, #tpu.memory_space<hbm>> -> memref<128x32xf32, #tpu.memory_space<hbm>>
        %dma_start3A_271 = arith.constant 0 : i32
        %dma_start3A_272 = arith.constant 0 : i32
        %dma_start3A_273 = tpu.memref_slice %arg4[%add3A_254, %dma_start3A_271, %dma_start3A_272] : memref<4096x128x32xf32, #tpu.memory_space<hbm>> -> memref<1x128x32xf32, #tpu.memory_space<hbm>>
        %dma_start3A_274 = tpu.memref_squeeze %dma_start3A_273 : memref<1x128x32xf32, #tpu.memory_space<hbm>> -> memref<128x32xf32, #tpu.memory_space<hbm>>
        %dma_start3A_275 = arith.constant 0 : i32
        %dma_start3A_276 = arith.constant 0 : i32
        %dma_start3A_277 = tpu.memref_slice %arg6[%run_scoped3A_255, %dma_start3A_275, %dma_start3A_276] : memref<8x128x32xf32, #tpu.memory_space<vmem>> -> memref<1x128x32xf32, #tpu.memory_space<vmem>>
        %dma_start3A_278 = tpu.memref_squeeze %dma_start3A_277 : memref<1x128x32xf32, #tpu.memory_space<vmem>> -> memref<128x32xf32, #tpu.memory_space<vmem>>
        tpu.enqueue_dma source(%dma_start3A_278 : memref<128x32xf32, #tpu.memory_space<vmem>>) target(%dma_start3A_274 : memref<128x32xf32, #tpu.memory_space<hbm>>) target_semaphore(%run_scoped3A_262 : memref<!tpu.dma_semaphore, #tpu.memory_space<semaphore_mem>>)
        %dma_wait3A_279 = arith.constant 0 : i32
        %dma_wait3A_280 = arith.constant 0 : i32
        %dma_wait3A_281 = tpu.memref_slice %arg6[%run_scoped3A_255, %dma_wait3A_279, %dma_wait3A_280] : memref<8x128x32xf32, #tpu.memory_space<vmem>> -> memref<1x128x32xf32, #tpu.memory_space<vmem>>
        %dma_wait3A_282 = tpu.memref_squeeze %dma_wait3A_281 : memref<1x128x32xf32, #tpu.memory_space<vmem>> -> memref<128x32xf32, #tpu.memory_space<vmem>>
        %dma_wait3A_283 = arith.constant 0 : i32
        %dma_wait3A_284 = arith.constant 0 : i32
        %dma_wait3A_285 = tpu.memref_slice %arg4[%add3A_254, %dma_wait3A_283, %dma_wait3A_284] : memref<4096x128x32xf32, #tpu.memory_space<hbm>> -> memref<1x128x32xf32, #tpu.memory_space<hbm>>
        %dma_wait3A_286 = tpu.memref_squeeze %dma_wait3A_285 : memref<1x128x32xf32, #tpu.memory_space<hbm>> -> memref<128x32xf32, #tpu.memory_space<hbm>>
        %dma_wait3A_287 = arith.constant 0 : i32
        %dma_wait3A_288 = arith.constant 0 : i32
        %dma_wait3A_289 = tpu.memref_slice %arg4[%add3A_254, %dma_wait3A_287, %dma_wait3A_288] : memref<4096x128x32xf32, #tpu.memory_space<hbm>> -> memref<1x128x32xf32, #tpu.memory_space<hbm>>
        %dma_wait3A_290 = tpu.memref_squeeze %dma_wait3A_289 : memref<1x128x32xf32, #tpu.memory_space<hbm>> -> memref<128x32xf32, #tpu.memory_space<hbm>>
        %dma_wait3A_291 = arith.constant 0 : i32
        %dma_wait3A_292 = arith.constant 0 : i32
        %dma_wait3A_293 = tpu.memref_slice %arg6[%run_scoped3A_255, %dma_wait3A_291, %dma_wait3A_292] : memref<8x128x32xf32, #tpu.memory_space<vmem>> -> memref<1x128x32xf32, #tpu.memory_space<vmem>>
        %dma_wait3A_294 = tpu.memref_squeeze %dma_wait3A_293 : memref<1x128x32xf32, #tpu.memory_space<vmem>> -> memref<128x32xf32, #tpu.memory_space<vmem>>
        tpu.wait_dma2 semaphore(%run_scoped3A_262 : memref<!tpu.dma_semaphore, #tpu.memory_space<semaphore_mem>>) src(%dma_wait3A_294 : memref<128x32xf32, #tpu.memory_space<vmem>>) dst(%dma_wait3A_290 : memref<128x32xf32, #tpu.memory_space<hbm>>)
        tpu.yield
      }) : () -> ()
      %mul3A_256 = arith.constant 8 : i32
      %mul3A_257 = arith.muli %scan3A_8, %mul3A_256 : i32
      %add3A_258 = arith.addi %mul3A_2, %mul3A_257 : i32
      %add3A_259 = arith.constant 7 : i32
      %add3A_260 = arith.addi %add3A_258, %add3A_259 : i32
      %run_scoped3A_261 = arith.constant 7 : i32
      "tpu.region"() ({
        %run_scoped3A_262 = tpu.sem_alloc : memref<!tpu.dma_semaphore, #tpu.memory_space<semaphore_mem>>
        %dma_start3A_263 = arith.constant 0 : i32
        %dma_start3A_264 = arith.constant 0 : i32
        %dma_start3A_265 = tpu.memref_slice %arg6[%run_scoped3A_261, %dma_start3A_263, %dma_start3A_264] : memref<8x128x32xf32, #tpu.memory_space<vmem>> -> memref<1x128x32xf32, #tpu.memory_space<vmem>>
        %dma_start3A_266 = tpu.memref_squeeze %dma_start3A_265 : memref<1x128x32xf32, #tpu.memory_space<vmem>> -> memref<128x32xf32, #tpu.memory_space<vmem>>
        %dma_start3A_267 = arith.constant 0 : i32
        %dma_start3A_268 = arith.constant 0 : i32
        %dma_start3A_269 = tpu.memref_slice %arg4[%add3A_260, %dma_start3A_267, %dma_start3A_268] : memref<4096x128x32xf32, #tpu.memory_space<hbm>> -> memref<1x128x32xf32, #tpu.memory_space<hbm>>
        %dma_start3A_270 = tpu.memref_squeeze %dma_start3A_269 : memref<1x128x32xf32, #tpu.memory_space<hbm>> -> memref<128x32xf32, #tpu.memory_space<hbm>>
        %dma_start3A_271 = arith.constant 0 : i32
        %dma_start3A_272 = arith.constant 0 : i32
        %dma_start3A_273 = tpu.memref_slice %arg4[%add3A_260, %dma_start3A_271, %dma_start3A_272] : memref<4096x128x32xf32, #tpu.memory_space<hbm>> -> memref<1x128x32xf32, #tpu.memory_space<hbm>>
        %dma_start3A_274 = tpu.memref_squeeze %dma_start3A_273 : memref<1x128x32xf32, #tpu.memory_space<hbm>> -> memref<128x32xf32, #tpu.memory_space<hbm>>
        %dma_start3A_275 = arith.constant 0 : i32
        %dma_start3A_276 = arith.constant 0 : i32
        %dma_start3A_277 = tpu.memref_slice %arg6[%run_scoped3A_261, %dma_start3A_275, %dma_start3A_276] : memref<8x128x32xf32, #tpu.memory_space<vmem>> -> memref<1x128x32xf32, #tpu.memory_space<vmem>>
        %dma_start3A_278 = tpu.memref_squeeze %dma_start3A_277 : memref<1x128x32xf32, #tpu.memory_space<vmem>> -> memref<128x32xf32, #tpu.memory_space<vmem>>
        tpu.enqueue_dma source(%dma_start3A_278 : memref<128x32xf32, #tpu.memory_space<vmem>>) target(%dma_start3A_274 : memref<128x32xf32, #tpu.memory_space<hbm>>) target_semaphore(%run_scoped3A_262 : memref<!tpu.dma_semaphore, #tpu.memory_space<semaphore_mem>>)
        %dma_wait3A_279 = arith.constant 0 : i32
        %dma_wait3A_280 = arith.constant 0 : i32
        %dma_wait3A_281 = tpu.memref_slice %arg6[%run_scoped3A_261, %dma_wait3A_279, %dma_wait3A_280] : memref<8x128x32xf32, #tpu.memory_space<vmem>> -> memref<1x128x32xf32, #tpu.memory_space<vmem>>
        %dma_wait3A_282 = tpu.memref_squeeze %dma_wait3A_281 : memref<1x128x32xf32, #tpu.memory_space<vmem>> -> memref<128x32xf32, #tpu.memory_space<vmem>>
        %dma_wait3A_283 = arith.constant 0 : i32
        %dma_wait3A_284 = arith.constant 0 : i32
        %dma_wait3A_285 = tpu.memref_slice %arg4[%add3A_260, %dma_wait3A_283, %dma_wait3A_284] : memref<4096x128x32xf32, #tpu.memory_space<hbm>> -> memref<1x128x32xf32, #tpu.memory_space<hbm>>
        %dma_wait3A_286 = tpu.memref_squeeze %dma_wait3A_285 : memref<1x128x32xf32, #tpu.memory_space<hbm>> -> memref<128x32xf32, #tpu.memory_space<hbm>>
        %dma_wait3A_287 = arith.constant 0 : i32
        %dma_wait3A_288 = arith.constant 0 : i32
        %dma_wait3A_289 = tpu.memref_slice %arg4[%add3A_260, %dma_wait3A_287, %dma_wait3A_288] : memref<4096x128x32xf32, #tpu.memory_space<hbm>> -> memref<1x128x32xf32, #tpu.memory_space<hbm>>
        %dma_wait3A_290 = tpu.memref_squeeze %dma_wait3A_289 : memref<1x128x32xf32, #tpu.memory_space<hbm>> -> memref<128x32xf32, #tpu.memory_space<hbm>>
        %dma_wait3A_291 = arith.constant 0 : i32
        %dma_wait3A_292 = arith.constant 0 : i32
        %dma_wait3A_293 = tpu.memref_slice %arg6[%run_scoped3A_261, %dma_wait3A_291, %dma_wait3A_292] : memref<8x128x32xf32, #tpu.memory_space<vmem>> -> memref<1x128x32xf32, #tpu.memory_space<vmem>>
        %dma_wait3A_294 = tpu.memref_squeeze %dma_wait3A_293 : memref<1x128x32xf32, #tpu.memory_space<vmem>> -> memref<128x32xf32, #tpu.memory_space<vmem>>
        tpu.wait_dma2 semaphore(%run_scoped3A_262 : memref<!tpu.dma_semaphore, #tpu.memory_space<semaphore_mem>>) src(%dma_wait3A_294 : memref<128x32xf32, #tpu.memory_space<vmem>>) dst(%dma_wait3A_290 : memref<128x32xf32, #tpu.memory_space<hbm>>)
        tpu.yield
      }) : () -> ()
    }
    %scan3A_7 = arith.constant 16 : i32
    return
  }
}

module attributes {stable_mosaic.version = 14 : i64} {
  func.func @_pre_body(%arg0: memref<32x1000xf32, #tpu.memory_space<vmem>>, %arg1: memref<8x32xf32, #tpu.memory_space<vmem>>, %arg2: memref<8x4xf32, #tpu.memory_space<vmem>>, %arg3: memref<32x1000xf32, #tpu.memory_space<vmem>>, %arg4: memref<8x32xf32, #tpu.memory_space<vmem>>, %arg5: memref<8x4xf32, #tpu.memory_space<vmem>>) attributes {dimension_semantics = [], scalar_prefetch = 0 : i64, scratch_operands = 0 : i64, tpu.core_type = #tpu.core_type<tc>} {
    %get3A = arith.constant 0 : index
    %get3A_0 = arith.constant 0 : index
    %get3A_1 = vector.load %arg0[%get3A, %get3A_0] : memref<32x1000xf32, #tpu.memory_space<vmem>>, vector<32x1000xf32>
    %reduce_max3A = arith.constant dense<0xFF800000> : vector<32xf32>
    %reduce_max3A_2 = vector.multi_reduction <maximumf>, %get3A_1, %reduce_max3A [1] : vector<32x1000xf32> to vector<32xf32>
    %broadcast_in_dim3A = vector.shape_cast %reduce_max3A_2 : vector<32xf32> to vector<32x1xf32>
    %sub3A = vector.broadcast %broadcast_in_dim3A : vector<32x1xf32> to vector<32x1000xf32>
    %sub3A_3 = arith.subf %get3A_1, %sub3A : vector<32x1000xf32>
    %exp3A = math.exp %sub3A_3 : vector<32x1000xf32>
    %reduce_sum3A = arith.constant dense<0.000000e+00> : vector<32xf32>
    %reduce_sum3A_4 = vector.multi_reduction <add>, %exp3A, %reduce_sum3A [1] : vector<32x1000xf32> to vector<32xf32>
    %broadcast_in_dim3A_5 = vector.shape_cast %reduce_sum3A_4 : vector<32xf32> to vector<32x1xf32>
    %div3A = vector.broadcast %broadcast_in_dim3A_5 : vector<32x1xf32> to vector<32x1000xf32>
    %div3A_6 = arith.divf %exp3A, %div3A : vector<32x1000xf32>
    %swap3A = arith.constant 0 : index
    %swap3A_7 = arith.constant 0 : index
    %swap3A_8 = vector.load %arg3[%swap3A, %swap3A_7] : memref<32x1000xf32, #tpu.memory_space<vmem>>, vector<32x1000xf32>
    tpu.vector_store %arg3[%swap3A, %swap3A_7], %div3A_6 {strides = array<i32>} : memref<32x1000xf32, #tpu.memory_space<vmem>>, vector<32x1000xf32>,
    %get3A_9 = arith.constant 0 : index
    %get3A_10 = arith.constant 0 : index
    %get3A_11 = vector.load %arg1[%get3A_9, %get3A_10] : memref<8x32xf32, #tpu.memory_space<vmem>>, vector<8x32xf32>
    %reduce_max3A_12 = arith.constant dense<0xFF800000> : vector<32xf32>
    %reduce_max3A_13 = vector.multi_reduction <maximumf>, %get3A_11, %reduce_max3A_12 [0] : vector<8x32xf32> to vector<32xf32>
    %broadcast_in_dim3A_14 = vector.shape_cast %reduce_max3A_13 : vector<32xf32> to vector<1x32xf32>
    %sub3A_15 = vector.broadcast %broadcast_in_dim3A_14 : vector<1x32xf32> to vector<8x32xf32>
    %sub3A_16 = arith.subf %get3A_11, %sub3A_15 : vector<8x32xf32>
    %exp3A_17 = math.exp %sub3A_16 : vector<8x32xf32>
    %reduce_sum3A_18 = arith.constant dense<0.000000e+00> : vector<32xf32>
    %reduce_sum3A_19 = vector.multi_reduction <add>, %exp3A_17, %reduce_sum3A_18 [0] : vector<8x32xf32> to vector<32xf32>
    %broadcast_in_dim3A_20 = vector.shape_cast %reduce_sum3A_19 : vector<32xf32> to vector<1x32xf32>
    %div3A_21 = vector.broadcast %broadcast_in_dim3A_20 : vector<1x32xf32> to vector<8x32xf32>
    %div3A_22 = arith.divf %exp3A_17, %div3A_21 : vector<8x32xf32>
    %swap3A_23 = arith.constant 0 : index
    %swap3A_24 = arith.constant 0 : index
    %swap3A_25 = vector.load %arg4[%swap3A_23, %swap3A_24] : memref<8x32xf32, #tpu.memory_space<vmem>>, vector<8x32xf32>
    tpu.vector_store %arg4[%swap3A_23, %swap3A_24], %div3A_22 {strides = array<i32>} : memref<8x32xf32, #tpu.memory_space<vmem>>, vector<8x32xf32>,
    %get3A_26 = arith.constant 0 : index
    %get3A_27 = arith.constant 0 : index
    %get3A_28 = vector.load %arg2[%get3A_26, %get3A_27] : memref<8x4xf32, #tpu.memory_space<vmem>>, vector<8x4xf32>
    %reduce_max3A_29 = arith.constant dense<0xFF800000> : vector<4xf32>
    %reduce_max3A_30 = vector.multi_reduction <maximumf>, %get3A_28, %reduce_max3A_29 [0] : vector<8x4xf32> to vector<4xf32>
    %broadcast_in_dim3A_31 = vector.shape_cast %reduce_max3A_30 : vector<4xf32> to vector<1x4xf32>
    %sub3A_32 = vector.broadcast %broadcast_in_dim3A_31 : vector<1x4xf32> to vector<8x4xf32>
    %sub3A_33 = arith.subf %get3A_28, %sub3A_32 : vector<8x4xf32>
    %exp3A_34 = math.exp %sub3A_33 : vector<8x4xf32>
    %reduce_sum3A_35 = arith.constant dense<0.000000e+00> : vector<4xf32>
    %reduce_sum3A_36 = vector.multi_reduction <add>, %exp3A_34, %reduce_sum3A_35 [0] : vector<8x4xf32> to vector<4xf32>
    %broadcast_in_dim3A_37 = vector.shape_cast %reduce_sum3A_36 : vector<4xf32> to vector<1x4xf32>
    %div3A_38 = vector.broadcast %broadcast_in_dim3A_37 : vector<1x4xf32> to vector<8x4xf32>
    %div3A_39 = arith.divf %exp3A_34, %div3A_38 : vector<8x4xf32>
    %swap3A_40 = arith.constant 0 : index
    %swap3A_41 = arith.constant 0 : index
    %swap3A_42 = vector.load %arg5[%swap3A_40, %swap3A_41] : memref<8x4xf32, #tpu.memory_space<vmem>>, vector<8x4xf32>
    tpu.vector_store %arg5[%swap3A_40, %swap3A_41], %div3A_39 {strides = array<i32>} : memref<8x4xf32, #tpu.memory_space<vmem>>, vector<8x4xf32>,
    return
  }
}

module attributes {stable_mosaic.version = 14 : i64} {
  func.func @_main_body(%arg0: i32, %arg1: memref<32x512x64xf32, #tpu.memory_space<vmem>>, %arg2: memref<64x32xf32, #tpu.memory_space<vmem>>, %arg3: memref<1x64xf32, #tpu.memory_space<vmem>>, %arg4: memref<64x8xf32, #tpu.memory_space<vmem>>, %arg5: memref<8x64xf32, #tpu.memory_space<vmem>>, %arg6: memref<8x4xf32, #tpu.memory_space<vmem>>, %arg7: memref<32x4xf32, #tpu.memory_space<vmem>>, %arg8: memref<32x4xf32, #tpu.memory_space<vmem>>) attributes {dimension_semantics = [#tpu.dimension_semantics<arbitrary>], iteration_bounds = array<i64: 16>, scalar_prefetch = 0 : i64, scratch_operands = 0 : i64, tpu.core_type = #tpu.core_type<tc>, window_params = [{transform_indices = @transform_0, window_bounds = array<i64: 32, 512, 64>}, {pipeline_mode = #tpu.pipeline_mode<synchronous>, transform_indices = @transform_1, window_bounds = array<i64: 64, 32>}, {pipeline_mode = #tpu.pipeline_mode<synchronous>, transform_indices = @transform_2, window_bounds = array<i64: 1, 64>}, {pipeline_mode = #tpu.pipeline_mode<synchronous>, transform_indices = @transform_3, window_bounds = array<i64: 64, 8>}, {pipeline_mode = #tpu.pipeline_mode<synchronous>, transform_indices = @transform_4, window_bounds = array<i64: 8, 64>}, {pipeline_mode = #tpu.pipeline_mode<synchronous>, transform_indices = @transform_5, window_bounds = array<i64: 8, 4>}, {pipeline_mode = #tpu.pipeline_mode<synchronous>, transform_indices = @transform_6, window_bounds = array<i64: 32, 4>}, {transform_indices = @transform_7, window_bounds = array<i64: 32, 4>}]} {
    %get3A = arith.constant 0 : index
    %get3A_0 = arith.constant 0 : index
    %get3A_1 = vector.load %arg2[%get3A, %get3A_0] : memref<64x32xf32, #tpu.memory_space<vmem>>, vector<64x32xf32>
    %get3A_2 = arith.constant 0 : index
    %get3A_3 = arith.constant 0 : index
    %get3A_4 = vector.load %arg3[%get3A_2, %get3A_3] : memref<1x64xf32, #tpu.memory_space<vmem>>, vector<1x64xf32>
    %get3A_5 = arith.constant 0 : index
    %get3A_6 = arith.constant 0 : index
    %get3A_7 = vector.load %arg4[%get3A_5, %get3A_6] : memref<64x8xf32, #tpu.memory_space<vmem>>, vector<64x8xf32>
    %get3A_8 = arith.constant 0 : index
    %get3A_9 = arith.constant 0 : index
    %get3A_10 = vector.load %arg5[%get3A_8, %get3A_9] : memref<8x64xf32, #tpu.memory_space<vmem>>, vector<8x64xf32>
    %get3A_11 = arith.constant 0 : index
    %get3A_12 = arith.constant 0 : index
    %get3A_13 = vector.load %arg6[%get3A_11, %get3A_12] : memref<8x4xf32, #tpu.memory_space<vmem>>, vector<8x4xf32>
    %get3A_14 = arith.constant 0 : index
    %get3A_15 = arith.constant 0 : index
    %get3A_16 = vector.load %arg7[%get3A_14, %get3A_15] : memref<32x4xf32, #tpu.memory_space<vmem>>, vector<32x4xf32>
    %get3A_17 = arith.constant 0 : index
    %get3A_18 = arith.constant 255 : index
    %get3A_19 = arith.constant 0 : index
    %get3A_20 = vector.load %arg1[%get3A_17, %get3A_18, %get3A_19] : memref<32x512x64xf32, #tpu.memory_space<vmem>>, vector<32x256x64xf32>
    %reshape3A = vector.shape_cast %get3A_20 : vector<32x256x64xf32> to vector<8192x64xf32>
    %mul3A = vector.broadcast %get3A_4 : vector<1x64xf32> to vector<8192x64xf32>
    %mul3A_21 = arith.mulf %mul3A, %reshape3A : vector<8192x64xf32>
    %dot_general3A = arith.constant dense<0.000000e+00> : vector<8192x8xf32>
    %dot_general3A_22 = tpu.matmul %mul3A_21, %get3A_7, %dot_general3A {dimension_numbers = #tpu.dot_dimension_numbers<[1], [0], [0], [1], [0, 0, 1, 1], [], []>, precision = #tpu.contract_precision<fp32>, transpose_lhs_hint = false} : vector<8192x64xf32>, vector<64x8xf32>, vector<8192x8xf32> -> vector<8192x8xf32>
    %div3A = arith.constant 1.000000e+00 : f32
    %div3A_23 = vector.broadcast %div3A : f32 to vector<8192x8xf32>
    %div3A_24 = arith.divf %div3A_23, %dot_general3A_22 : vector<8192x8xf32>
    %dot_general3A_25 = arith.constant dense<0.000000e+00> : vector<8192x64xf32>
    %dot_general3A_26 = tpu.matmul %div3A_24, %get3A_10, %dot_general3A_25 {dimension_numbers = #tpu.dot_dimension_numbers<[1], [0], [0], [1], [0, 0, 1, 1], [], []>, precision = #tpu.contract_precision<fp32>, transpose_lhs_hint = false} : vector<8192x8xf32>, vector<8x64xf32>, vector<8192x64xf32> -> vector<8192x64xf32>
    %mul3A_27 = arith.mulf %mul3A_21, %dot_general3A_26 : vector<8192x64xf32>
    %log3A = math.log %dot_general3A_22 : vector<8192x8xf32>
    %reshape3A_28 = vector.shape_cast %log3A : vector<8192x8xf32> to vector<32x256x8xf32>
    %reduce_sum3A = arith.constant dense<0.000000e+00> : vector<32x8xf32>
    %reduce_sum3A_29 = vector.multi_reduction <add>, %reshape3A_28, %reduce_sum3A [1] : vector<32x256x8xf32> to vector<32x8xf32>
    %dot_general3A_30 = arith.constant dense<0.000000e+00> : vector<32x4xf32>
    %dot_general3A_31 = tpu.matmul %reduce_sum3A_29, %get3A_13, %dot_general3A_30 {dimension_numbers = #tpu.dot_dimension_numbers<[1], [0], [0], [1], [0, 0, 1, 1], [], []>, precision = #tpu.contract_precision<fp32>, transpose_lhs_hint = false} : vector<32x8xf32>, vector<8x4xf32>, vector<32x4xf32> -> vector<32x4xf32>
    %dot_general3A_32 = arith.constant dense<0.000000e+00> : vector<8192x32xf32>
    %dot_general3A_33 = tpu.matmul %mul3A_27, %get3A_1, %dot_general3A_32 {dimension_numbers = #tpu.dot_dimension_numbers<[1], [0], [0], [1], [0, 0, 1, 1], [], []>, precision = #tpu.contract_precision<fp32>, transpose_lhs_hint = false} : vector<8192x64xf32>, vector<64x32xf32>, vector<8192x32xf32> -> vector<8192x32xf32>
    %reshape3A_34 = vector.shape_cast %dot_general3A_33 : vector<8192x32xf32> to vector<4096x2x32xf32>
    %slice3A = vector.extract_strided_slice %reshape3A_34 {offsets = [0, 0, 0], sizes = [4096, 1, 32], strides = [1, 1, 1]} : vector<4096x2x32xf32> to vector<4096x1x32xf32>
    %squeeze3A = vector.shape_cast %slice3A : vector<4096x1x32xf32> to vector<4096x32xf32>
    %slice3A_35 = vector.extract_strided_slice %reshape3A_34 {offsets = [0, 1, 0], sizes = [4096, 1, 32], strides = [1, 1, 1]} : vector<4096x2x32xf32> to vector<4096x1x32xf32>
    %squeeze3A_36 = vector.shape_cast %slice3A_35 : vector<4096x1x32xf32> to vector<4096x32xf32>
    %concatenate3A = tpu.concatenate %squeeze3A, %squeeze3A_36 in 1 : vector<4096x32xf32>, vector<4096x32xf32> -> vector<4096x64xf32>
    %get3A_37 = arith.constant 0 : index
    %get3A_38 = arith.constant 127 : index
    %get3A_39 = arith.constant 0 : index
    %get3A_40 = vector.load %arg1[%get3A_37, %get3A_38, %get3A_39] : memref<32x512x64xf32, #tpu.memory_space<vmem>>, vector<32x128x64xf32>
    %reshape3A_41 = vector.shape_cast %get3A_40 : vector<32x128x64xf32> to vector<4096x64xf32>
    %mul3A_42 = arith.mulf %reshape3A_41, %concatenate3A : vector<4096x64xf32>
    %dot_general3A_43 = arith.constant dense<0.000000e+00> : vector<4096x8xf32>
    %dot_general3A_44 = tpu.matmul %mul3A_42, %get3A_7, %dot_general3A_43 {dimension_numbers = #tpu.dot_dimension_numbers<[1], [0], [0], [1], [0, 0, 1, 1], [], []>, precision = #tpu.contract_precision<fp32>, transpose_lhs_hint = false} : vector<4096x64xf32>, vector<64x8xf32>, vector<4096x8xf32> -> vector<4096x8xf32>
    %div3A_45 = arith.constant 1.000000e+00 : f32
    %div3A_46 = vector.broadcast %div3A_45 : f32 to vector<4096x8xf32>
    %div3A_47 = arith.divf %div3A_46, %dot_general3A_44 : vector<4096x8xf32>
    %dot_general3A_48 = arith.constant dense<0.000000e+00> : vector<4096x64xf32>
    %dot_general3A_49 = tpu.matmul %div3A_47, %get3A_10, %dot_general3A_48 {dimension_numbers = #tpu.dot_dimension_numbers<[1], [0], [0], [1], [0, 0, 1, 1], [], []>, precision = #tpu.contract_precision<fp32>, transpose_lhs_hint = false} : vector<4096x8xf32>, vector<8x64xf32>, vector<4096x64xf32> -> vector<4096x64xf32>
    %mul3A_50 = arith.mulf %mul3A_42, %dot_general3A_49 : vector<4096x64xf32>
    %log3A_51 = math.log %dot_general3A_44 : vector<4096x8xf32>
    %reshape3A_52 = vector.shape_cast %log3A_51 : vector<4096x8xf32> to vector<32x128x8xf32>
    %reduce_sum3A_53 = arith.constant dense<0.000000e+00> : vector<32x8xf32>
    %reduce_sum3A_54 = vector.multi_reduction <add>, %reshape3A_52, %reduce_sum3A_53 [1] : vector<32x128x8xf32> to vector<32x8xf32>
    %dot_general3A_55 = arith.constant dense<0.000000e+00> : vector<32x4xf32>
    %dot_general3A_56 = tpu.matmul %reduce_sum3A_54, %get3A_13, %dot_general3A_55 {dimension_numbers = #tpu.dot_dimension_numbers<[1], [0], [0], [1], [0, 0, 1, 1], [], []>, precision = #tpu.contract_precision<fp32>, transpose_lhs_hint = false} : vector<32x8xf32>, vector<8x4xf32>, vector<32x4xf32> -> vector<32x4xf32>
    %add3A = arith.addf %dot_general3A_31, %dot_general3A_56 : vector<32x4xf32>
    %dot_general3A_57 = arith.constant dense<0.000000e+00> : vector<4096x32xf32>
    %dot_general3A_58 = tpu.matmul %mul3A_50, %get3A_1, %dot_general3A_57 {dimension_numbers = #tpu.dot_dimension_numbers<[1], [0], [0], [1], [0, 0, 1, 1], [], []>, precision = #tpu.contract_precision<fp32>, transpose_lhs_hint = false} : vector<4096x64xf32>, vector<64x32xf32>, vector<4096x32xf32> -> vector<4096x32xf32>
    %reshape3A_59 = vector.shape_cast %dot_general3A_58 : vector<4096x32xf32> to vector<2048x2x32xf32>
    %slice3A_60 = vector.extract_strided_slice %reshape3A_59 {offsets = [0, 0, 0], sizes = [2048, 1, 32], strides = [1, 1, 1]} : vector<2048x2x32xf32> to vector<2048x1x32xf32>
    %squeeze3A_61 = vector.shape_cast %slice3A_60 : vector<2048x1x32xf32> to vector<2048x32xf32>
    %slice3A_62 = vector.extract_strided_slice %reshape3A_59 {offsets = [0, 1, 0], sizes = [2048, 1, 32], strides = [1, 1, 1]} : vector<2048x2x32xf32> to vector<2048x1x32xf32>
    %squeeze3A_63 = vector.shape_cast %slice3A_62 : vector<2048x1x32xf32> to vector<2048x32xf32>
    %concatenate3A_64 = tpu.concatenate %squeeze3A_61, %squeeze3A_63 in 1 : vector<2048x32xf32>, vector<2048x32xf32> -> vector<2048x64xf32>
    %get3A_65 = arith.constant 0 : index
    %get3A_66 = arith.constant 63 : index
    %get3A_67 = arith.constant 0 : index
    %get3A_68 = vector.load %arg1[%get3A_65, %get3A_66, %get3A_67] : memref<32x512x64xf32, #tpu.memory_space<vmem>>, vector<32x64x64xf32>
    %reshape3A_69 = vector.shape_cast %get3A_68 : vector<32x64x64xf32> to vector<2048x64xf32>
    %mul3A_70 = arith.mulf %reshape3A_69, %concatenate3A_64 : vector<2048x64xf32>
    %dot_general3A_71 = arith.constant dense<0.000000e+00> : vector<2048x8xf32>
    %dot_general3A_72 = tpu.matmul %mul3A_70, %get3A_7, %dot_general3A_71 {dimension_numbers = #tpu.dot_dimension_numbers<[1], [0], [0], [1], [0, 0, 1, 1], [], []>, precision = #tpu.contract_precision<fp32>, transpose_lhs_hint = false} : vector<2048x64xf32>, vector<64x8xf32>, vector<2048x8xf32> -> vector<2048x8xf32>
    %div3A_73 = arith.constant 1.000000e+00 : f32
    %div3A_74 = vector.broadcast %div3A_73 : f32 to vector<2048x8xf32>
    %div3A_75 = arith.divf %div3A_74, %dot_general3A_72 : vector<2048x8xf32>
    %dot_general3A_76 = arith.constant dense<0.000000e+00> : vector<2048x64xf32>
    %dot_general3A_77 = tpu.matmul %div3A_75, %get3A_10, %dot_general3A_76 {dimension_numbers = #tpu.dot_dimension_numbers<[1], [0], [0], [1], [0, 0, 1, 1], [], []>, precision = #tpu.contract_precision<fp32>, transpose_lhs_hint = false} : vector<2048x8xf32>, vector<8x64xf32>, vector<2048x64xf32> -> vector<2048x64xf32>
    %mul3A_78 = arith.mulf %mul3A_70, %dot_general3A_77 : vector<2048x64xf32>
    %log3A_79 = math.log %dot_general3A_72 : vector<2048x8xf32>
    %reshape3A_80 = vector.shape_cast %log3A_79 : vector<2048x8xf32> to vector<32x64x8xf32>
    %reduce_sum3A_81 = arith.constant dense<0.000000e+00> : vector<32x8xf32>
    %reduce_sum3A_82 = vector.multi_reduction <add>, %reshape3A_80, %reduce_sum3A_81 [1] : vector<32x64x8xf32> to vector<32x8xf32>
    %dot_general3A_83 = arith.constant dense<0.000000e+00> : vector<32x4xf32>
    %dot_general3A_84 = tpu.matmul %reduce_sum3A_82, %get3A_13, %dot_general3A_83 {dimension_numbers = #tpu.dot_dimension_numbers<[1], [0], [0], [1], [0, 0, 1, 1], [], []>, precision = #tpu.contract_precision<fp32>, transpose_lhs_hint = false} : vector<32x8xf32>, vector<8x4xf32>, vector<32x4xf32> -> vector<32x4xf32>
    %add3A_85 = arith.addf %add3A, %dot_general3A_84 : vector<32x4xf32>
    %dot_general3A_86 = arith.constant dense<0.000000e+00> : vector<2048x32xf32>
    %dot_general3A_87 = tpu.matmul %mul3A_78, %get3A_1, %dot_general3A_86 {dimension_numbers = #tpu.dot_dimension_numbers<[1], [0], [0], [1], [0, 0, 1, 1], [], []>, precision = #tpu.contract_precision<fp32>, transpose_lhs_hint = false} : vector<2048x64xf32>, vector<64x32xf32>, vector<2048x32xf32> -> vector<2048x32xf32>
    %reshape3A_88 = vector.shape_cast %dot_general3A_87 : vector<2048x32xf32> to vector<1024x2x32xf32>
    %slice3A_89 = vector.extract_strided_slice %reshape3A_88 {offsets = [0, 0, 0], sizes = [1024, 1, 32], strides = [1, 1, 1]} : vector<1024x2x32xf32> to vector<1024x1x32xf32>
    %squeeze3A_90 = vector.shape_cast %slice3A_89 : vector<1024x1x32xf32> to vector<1024x32xf32>
    %slice3A_91 = vector.extract_strided_slice %reshape3A_88 {offsets = [0, 1, 0], sizes = [1024, 1, 32], strides = [1, 1, 1]} : vector<1024x2x32xf32> to vector<1024x1x32xf32>
    %squeeze3A_92 = vector.shape_cast %slice3A_91 : vector<1024x1x32xf32> to vector<1024x32xf32>
    %concatenate3A_93 = tpu.concatenate %squeeze3A_90, %squeeze3A_92 in 1 : vector<1024x32xf32>, vector<1024x32xf32> -> vector<1024x64xf32>
    %get3A_94 = arith.constant 0 : index
    %get3A_95 = arith.constant 31 : index
    %get3A_96 = arith.constant 0 : index
    %get3A_97 = vector.load %arg1[%get3A_94, %get3A_95, %get3A_96] : memref<32x512x64xf32, #tpu.memory_space<vmem>>, vector<32x32x64xf32>
    %reshape3A_98 = vector.shape_cast %get3A_97 : vector<32x32x64xf32> to vector<1024x64xf32>
    %mul3A_99 = arith.mulf %reshape3A_98, %concatenate3A_93 : vector<1024x64xf32>
    %dot_general3A_100 = arith.constant dense<0.000000e+00> : vector<1024x8xf32>
    %dot_general3A_101 = tpu.matmul %mul3A_99, %get3A_7, %dot_general3A_100 {dimension_numbers = #tpu.dot_dimension_numbers<[1], [0], [0], [1], [0, 0, 1, 1], [], []>, precision = #tpu.contract_precision<fp32>, transpose_lhs_hint = false} : vector<1024x64xf32>, vector<64x8xf32>, vector<1024x8xf32> -> vector<1024x8xf32>
    %div3A_102 = arith.constant 1.000000e+00 : f32
    %div3A_103 = vector.broadcast %div3A_102 : f32 to vector<1024x8xf32>
    %div3A_104 = arith.divf %div3A_103, %dot_general3A_101 : vector<1024x8xf32>
    %dot_general3A_105 = arith.constant dense<0.000000e+00> : vector<1024x64xf32>
    %dot_general3A_106 = tpu.matmul %div3A_104, %get3A_10, %dot_general3A_105 {dimension_numbers = #tpu.dot_dimension_numbers<[1], [0], [0], [1], [0, 0, 1, 1], [], []>, precision = #tpu.contract_precision<fp32>, transpose_lhs_hint = false} : vector<1024x8xf32>, vector<8x64xf32>, vector<1024x64xf32> -> vector<1024x64xf32>
    %mul3A_107 = arith.mulf %mul3A_99, %dot_general3A_106 : vector<1024x64xf32>
    %log3A_108 = math.log %dot_general3A_101 : vector<1024x8xf32>
    %reshape3A_109 = vector.shape_cast %log3A_108 : vector<1024x8xf32> to vector<32x32x8xf32>
    %reduce_sum3A_110 = arith.constant dense<0.000000e+00> : vector<32x8xf32>
    %reduce_sum3A_111 = vector.multi_reduction <add>, %reshape3A_109, %reduce_sum3A_110 [1] : vector<32x32x8xf32> to vector<32x8xf32>
    %dot_general3A_112 = arith.constant dense<0.000000e+00> : vector<32x4xf32>
    %dot_general3A_113 = tpu.matmul %reduce_sum3A_111, %get3A_13, %dot_general3A_112 {dimension_numbers = #tpu.dot_dimension_numbers<[1], [0], [0], [1], [0, 0, 1, 1], [], []>, precision = #tpu.contract_precision<fp32>, transpose_lhs_hint = false} : vector<32x8xf32>, vector<8x4xf32>, vector<32x4xf32> -> vector<32x4xf32>
    %add3A_114 = arith.addf %add3A_85, %dot_general3A_113 : vector<32x4xf32>
    %dot_general3A_115 = arith.constant dense<0.000000e+00> : vector<1024x32xf32>
    %dot_general3A_116 = tpu.matmul %mul3A_107, %get3A_1, %dot_general3A_115 {dimension_numbers = #tpu.dot_dimension_numbers<[1], [0], [0], [1], [0, 0, 1, 1], [], []>, precision = #tpu.contract_precision<fp32>, transpose_lhs_hint = false} : vector<1024x64xf32>, vector<64x32xf32>, vector<1024x32xf32> -> vector<1024x32xf32>
    %reshape3A_117 = vector.shape_cast %dot_general3A_116 : vector<1024x32xf32> to vector<512x2x32xf32>
    %slice3A_118 = vector.extract_strided_slice %reshape3A_117 {offsets = [0, 0, 0], sizes = [512, 1, 32], strides = [1, 1, 1]} : vector<512x2x32xf32> to vector<512x1x32xf32>
    %squeeze3A_119 = vector.shape_cast %slice3A_118 : vector<512x1x32xf32> to vector<512x32xf32>
    %slice3A_120 = vector.extract_strided_slice %reshape3A_117 {offsets = [0, 1, 0], sizes = [512, 1, 32], strides = [1, 1, 1]} : vector<512x2x32xf32> to vector<512x1x32xf32>
    %squeeze3A_121 = vector.shape_cast %slice3A_120 : vector<512x1x32xf32> to vector<512x32xf32>
    %concatenate3A_122 = tpu.concatenate %squeeze3A_119, %squeeze3A_121 in 1 : vector<512x32xf32>, vector<512x32xf32> -> vector<512x64xf32>
    %get3A_123 = arith.constant 0 : index
    %get3A_124 = arith.constant 15 : index
    %get3A_125 = arith.constant 0 : index
    %get3A_126 = vector.load %arg1[%get3A_123, %get3A_124, %get3A_125] : memref<32x512x64xf32, #tpu.memory_space<vmem>>, vector<32x16x64xf32>
    %reshape3A_127 = vector.shape_cast %get3A_126 : vector<32x16x64xf32> to vector<512x64xf32>
    %mul3A_128 = arith.mulf %reshape3A_127, %concatenate3A_122 : vector<512x64xf32>
    %dot_general3A_129 = arith.constant dense<0.000000e+00> : vector<512x8xf32>
    %dot_general3A_130 = tpu.matmul %mul3A_128, %get3A_7, %dot_general3A_129 {dimension_numbers = #tpu.dot_dimension_numbers<[1], [0], [0], [1], [0, 0, 1, 1], [], []>, precision = #tpu.contract_precision<fp32>, transpose_lhs_hint = false} : vector<512x64xf32>, vector<64x8xf32>, vector<512x8xf32> -> vector<512x8xf32>
    %div3A_131 = arith.constant 1.000000e+00 : f32
    %div3A_132 = vector.broadcast %div3A_131 : f32 to vector<512x8xf32>
    %div3A_133 = arith.divf %div3A_132, %dot_general3A_130 : vector<512x8xf32>
    %dot_general3A_134 = arith.constant dense<0.000000e+00> : vector<512x64xf32>
    %dot_general3A_135 = tpu.matmul %div3A_133, %get3A_10, %dot_general3A_134 {dimension_numbers = #tpu.dot_dimension_numbers<[1], [0], [0], [1], [0, 0, 1, 1], [], []>, precision = #tpu.contract_precision<fp32>, transpose_lhs_hint = false} : vector<512x8xf32>, vector<8x64xf32>, vector<512x64xf32> -> vector<512x64xf32>
    %mul3A_136 = arith.mulf %mul3A_128, %dot_general3A_135 : vector<512x64xf32>
    %log3A_137 = math.log %dot_general3A_130 : vector<512x8xf32>
    %reshape3A_138 = vector.shape_cast %log3A_137 : vector<512x8xf32> to vector<32x16x8xf32>
    %reduce_sum3A_139 = arith.constant dense<0.000000e+00> : vector<32x8xf32>
    %reduce_sum3A_140 = vector.multi_reduction <add>, %reshape3A_138, %reduce_sum3A_139 [1] : vector<32x16x8xf32> to vector<32x8xf32>
    %dot_general3A_141 = arith.constant dense<0.000000e+00> : vector<32x4xf32>
    %dot_general3A_142 = tpu.matmul %reduce_sum3A_140, %get3A_13, %dot_general3A_141 {dimension_numbers = #tpu.dot_dimension_numbers<[1], [0], [0], [1], [0, 0, 1, 1], [], []>, precision = #tpu.contract_precision<fp32>, transpose_lhs_hint = false} : vector<32x8xf32>, vector<8x4xf32>, vector<32x4xf32> -> vector<32x4xf32>
    %add3A_143 = arith.addf %add3A_114, %dot_general3A_142 : vector<32x4xf32>
    %dot_general3A_144 = arith.constant dense<0.000000e+00> : vector<512x32xf32>
    %dot_general3A_145 = tpu.matmul %mul3A_136, %get3A_1, %dot_general3A_144 {dimension_numbers = #tpu.dot_dimension_numbers<[1], [0], [0], [1], [0, 0, 1, 1], [], []>, precision = #tpu.contract_precision<fp32>, transpose_lhs_hint = false} : vector<512x64xf32>, vector<64x32xf32>, vector<512x32xf32> -> vector<512x32xf32>
    %reshape3A_146 = vector.shape_cast %dot_general3A_145 : vector<512x32xf32> to vector<256x2x32xf32>
    %slice3A_147 = vector.extract_strided_slice %reshape3A_146 {offsets = [0, 0, 0], sizes = [256, 1, 32], strides = [1, 1, 1]} : vector<256x2x32xf32> to vector<256x1x32xf32>
    %squeeze3A_148 = vector.shape_cast %slice3A_147 : vector<256x1x32xf32> to vector<256x32xf32>
    %slice3A_149 = vector.extract_strided_slice %reshape3A_146 {offsets = [0, 1, 0], sizes = [256, 1, 32], strides = [1, 1, 1]} : vector<256x2x32xf32> to vector<256x1x32xf32>
    %squeeze3A_150 = vector.shape_cast %slice3A_149 : vector<256x1x32xf32> to vector<256x32xf32>
    %concatenate3A_151 = tpu.concatenate %squeeze3A_148, %squeeze3A_150 in 1 : vector<256x32xf32>, vector<256x32xf32> -> vector<256x64xf32>
    %get3A_152 = arith.constant 0 : index
    %get3A_153 = arith.constant 7 : index
    %get3A_154 = arith.constant 0 : index
    %get3A_155 = vector.load %arg1[%get3A_152, %get3A_153, %get3A_154] : memref<32x512x64xf32, #tpu.memory_space<vmem>>, vector<32x8x64xf32>
    %reshape3A_156 = vector.shape_cast %get3A_155 : vector<32x8x64xf32> to vector<256x64xf32>
    %mul3A_157 = arith.mulf %reshape3A_156, %concatenate3A_151 : vector<256x64xf32>
    %dot_general3A_158 = arith.constant dense<0.000000e+00> : vector<256x8xf32>
    %dot_general3A_159 = tpu.matmul %mul3A_157, %get3A_7, %dot_general3A_158 {dimension_numbers = #tpu.dot_dimension_numbers<[1], [0], [0], [1], [0, 0, 1, 1], [], []>, precision = #tpu.contract_precision<fp32>, transpose_lhs_hint = false} : vector<256x64xf32>, vector<64x8xf32>, vector<256x8xf32> -> vector<256x8xf32>
    %div3A_160 = arith.constant 1.000000e+00 : f32
    %div3A_161 = vector.broadcast %div3A_160 : f32 to vector<256x8xf32>
    %div3A_162 = arith.divf %div3A_161, %dot_general3A_159 : vector<256x8xf32>
    %dot_general3A_163 = arith.constant dense<0.000000e+00> : vector<256x64xf32>
    %dot_general3A_164 = tpu.matmul %div3A_162, %get3A_10, %dot_general3A_163 {dimension_numbers = #tpu.dot_dimension_numbers<[1], [0], [0], [1], [0, 0, 1, 1], [], []>, precision = #tpu.contract_precision<fp32>, transpose_lhs_hint = false} : vector<256x8xf32>, vector<8x64xf32>, vector<256x64xf32> -> vector<256x64xf32>
    %mul3A_165 = arith.mulf %mul3A_157, %dot_general3A_164 : vector<256x64xf32>
    %log3A_166 = math.log %dot_general3A_159 : vector<256x8xf32>
    %reshape3A_167 = vector.shape_cast %log3A_166 : vector<256x8xf32> to vector<32x8x8xf32>
    %reduce_sum3A_168 = arith.constant dense<0.000000e+00> : vector<32x8xf32>
    %reduce_sum3A_169 = vector.multi_reduction <add>, %reshape3A_167, %reduce_sum3A_168 [1] : vector<32x8x8xf32> to vector<32x8xf32>
    %dot_general3A_170 = arith.constant dense<0.000000e+00> : vector<32x4xf32>
    %dot_general3A_171 = tpu.matmul %reduce_sum3A_169, %get3A_13, %dot_general3A_170 {dimension_numbers = #tpu.dot_dimension_numbers<[1], [0], [0], [1], [0, 0, 1, 1], [], []>, precision = #tpu.contract_precision<fp32>, transpose_lhs_hint = false} : vector<32x8xf32>, vector<8x4xf32>, vector<32x4xf32> -> vector<32x4xf32>
    %add3A_172 = arith.addf %add3A_143, %dot_general3A_171 : vector<32x4xf32>
    %dot_general3A_173 = arith.constant dense<0.000000e+00> : vector<256x32xf32>
    %dot_general3A_174 = tpu.matmul %mul3A_165, %get3A_1, %dot_general3A_173 {dimension_numbers = #tpu.dot_dimension_numbers<[1], [0], [0], [1], [0, 0, 1, 1], [], []>, precision = #tpu.contract_precision<fp32>, transpose_lhs_hint = false} : vector<256x64xf32>, vector<64x32xf32>, vector<256x32xf32> -> vector<256x32xf32>
    %reshape3A_175 = vector.shape_cast %dot_general3A_174 : vector<256x32xf32> to vector<128x2x32xf32>
    %slice3A_176 = vector.extract_strided_slice %reshape3A_175 {offsets = [0, 0, 0], sizes = [128, 1, 32], strides = [1, 1, 1]} : vector<128x2x32xf32> to vector<128x1x32xf32>
    %squeeze3A_177 = vector.shape_cast %slice3A_176 : vector<128x1x32xf32> to vector<128x32xf32>
    %slice3A_178 = vector.extract_strided_slice %reshape3A_175 {offsets = [0, 1, 0], sizes = [128, 1, 32], strides = [1, 1, 1]} : vector<128x2x32xf32> to vector<128x1x32xf32>
    %squeeze3A_179 = vector.shape_cast %slice3A_178 : vector<128x1x32xf32> to vector<128x32xf32>
    %concatenate3A_180 = tpu.concatenate %squeeze3A_177, %squeeze3A_179 in 1 : vector<128x32xf32>, vector<128x32xf32> -> vector<128x64xf32>
    %get3A_181 = arith.constant 0 : index
    %get3A_182 = arith.constant 3 : index
    %get3A_183 = arith.constant 0 : index
    %get3A_184 = vector.load %arg1[%get3A_181, %get3A_182, %get3A_183] : memref<32x512x64xf32, #tpu.memory_space<vmem>>, vector<32x4x64xf32>
    %reshape3A_185 = vector.shape_cast %get3A_184 : vector<32x4x64xf32> to vector<128x64xf32>
    %mul3A_186 = arith.mulf %reshape3A_185, %concatenate3A_180 : vector<128x64xf32>
    %dot_general3A_187 = arith.constant dense<0.000000e+00> : vector<128x8xf32>
    %dot_general3A_188 = tpu.matmul %mul3A_186, %get3A_7, %dot_general3A_187 {dimension_numbers = #tpu.dot_dimension_numbers<[1], [0], [0], [1], [0, 0, 1, 1], [], []>, precision = #tpu.contract_precision<fp32>, transpose_lhs_hint = false} : vector<128x64xf32>, vector<64x8xf32>, vector<128x8xf32> -> vector<128x8xf32>
    %div3A_189 = arith.constant 1.000000e+00 : f32
    %div3A_190 = vector.broadcast %div3A_189 : f32 to vector<128x8xf32>
    %div3A_191 = arith.divf %div3A_190, %dot_general3A_188 : vector<128x8xf32>
    %dot_general3A_192 = arith.constant dense<0.000000e+00> : vector<128x64xf32>
    %dot_general3A_193 = tpu.matmul %div3A_191, %get3A_10, %dot_general3A_192 {dimension_numbers = #tpu.dot_dimension_numbers<[1], [0], [0], [1], [0, 0, 1, 1], [], []>, precision = #tpu.contract_precision<fp32>, transpose_lhs_hint = false} : vector<128x8xf32>, vector<8x64xf32>, vector<128x64xf32> -> vector<128x64xf32>
    %mul3A_194 = arith.mulf %mul3A_186, %dot_general3A_193 : vector<128x64xf32>
    %log3A_195 = math.log %dot_general3A_188 : vector<128x8xf32>
    %reshape3A_196 = vector.shape_cast %log3A_195 : vector<128x8xf32> to vector<32x4x8xf32>
    %reduce_sum3A_197 = arith.constant dense<0.000000e+00> : vector<32x8xf32>
    %reduce_sum3A_198 = vector.multi_reduction <add>, %reshape3A_196, %reduce_sum3A_197 [1] : vector<32x4x8xf32> to vector<32x8xf32>
    %dot_general3A_199 = arith.constant dense<0.000000e+00> : vector<32x4xf32>
    %dot_general3A_200 = tpu.matmul %reduce_sum3A_198, %get3A_13, %dot_general3A_199 {dimension_numbers = #tpu.dot_dimension_numbers<[1], [0], [0], [1], [0, 0, 1, 1], [], []>, precision = #tpu.contract_precision<fp32>, transpose_lhs_hint = false} : vector<32x8xf32>, vector<8x4xf32>, vector<32x4xf32> -> vector<32x4xf32>
    %add3A_201 = arith.addf %add3A_172, %dot_general3A_200 : vector<32x4xf32>
    %dot_general3A_202 = arith.constant dense<0.000000e+00> : vector<128x32xf32>
    %dot_general3A_203 = tpu.matmul %mul3A_194, %get3A_1, %dot_general3A_202 {dimension_numbers = #tpu.dot_dimension_numbers<[1], [0], [0], [1], [0, 0, 1, 1], [], []>, precision = #tpu.contract_precision<fp32>, transpose_lhs_hint = false} : vector<128x64xf32>, vector<64x32xf32>, vector<128x32xf32> -> vector<128x32xf32>
    %reshape3A_204 = vector.shape_cast %dot_general3A_203 : vector<128x32xf32> to vector<64x2x32xf32>
    %slice3A_205 = vector.extract_strided_slice %reshape3A_204 {offsets = [0, 0, 0], sizes = [64, 1, 32], strides = [1, 1, 1]} : vector<64x2x32xf32> to vector<64x1x32xf32>
    %squeeze3A_206 = vector.shape_cast %slice3A_205 : vector<64x1x32xf32> to vector<64x32xf32>
    %slice3A_207 = vector.extract_strided_slice %reshape3A_204 {offsets = [0, 1, 0], sizes = [64, 1, 32], strides = [1, 1, 1]} : vector<64x2x32xf32> to vector<64x1x32xf32>
    %squeeze3A_208 = vector.shape_cast %slice3A_207 : vector<64x1x32xf32> to vector<64x32xf32>
    %concatenate3A_209 = tpu.concatenate %squeeze3A_206, %squeeze3A_208 in 1 : vector<64x32xf32>, vector<64x32xf32> -> vector<64x64xf32>
    %get3A_210 = arith.constant 0 : index
    %get3A_211 = arith.constant 1 : index
    %get3A_212 = arith.constant 0 : index
    %get3A_213 = vector.load %arg1[%get3A_210, %get3A_211, %get3A_212] : memref<32x512x64xf32, #tpu.memory_space<vmem>>, vector<32x2x64xf32>
    %reshape3A_214 = vector.shape_cast %get3A_213 : vector<32x2x64xf32> to vector<64x64xf32>
    %mul3A_215 = arith.mulf %reshape3A_214, %concatenate3A_209 : vector<64x64xf32>
    %dot_general3A_216 = arith.constant dense<0.000000e+00> : vector<64x8xf32>
    %dot_general3A_217 = tpu.matmul %mul3A_215, %get3A_7, %dot_general3A_216 {dimension_numbers = #tpu.dot_dimension_numbers<[1], [0], [0], [1], [0, 0, 1, 1], [], []>, precision = #tpu.contract_precision<fp32>, transpose_lhs_hint = false} : vector<64x64xf32>, vector<64x8xf32>, vector<64x8xf32> -> vector<64x8xf32>
    %div3A_218 = arith.constant 1.000000e+00 : f32
    %div3A_219 = vector.broadcast %div3A_218 : f32 to vector<64x8xf32>
    %div3A_220 = arith.divf %div3A_219, %dot_general3A_217 : vector<64x8xf32>
    %dot_general3A_221 = arith.constant dense<0.000000e+00> : vector<64x64xf32>
    %dot_general3A_222 = tpu.matmul %div3A_220, %get3A_10, %dot_general3A_221 {dimension_numbers = #tpu.dot_dimension_numbers<[1], [0], [0], [1], [0, 0, 1, 1], [], []>, precision = #tpu.contract_precision<fp32>, transpose_lhs_hint = false} : vector<64x8xf32>, vector<8x64xf32>, vector<64x64xf32> -> vector<64x64xf32>
    %mul3A_223 = arith.mulf %mul3A_215, %dot_general3A_222 : vector<64x64xf32>
    %log3A_224 = math.log %dot_general3A_217 : vector<64x8xf32>
    %reshape3A_225 = vector.shape_cast %log3A_224 : vector<64x8xf32> to vector<32x2x8xf32>
    %reduce_sum3A_226 = arith.constant dense<0.000000e+00> : vector<32x8xf32>
    %reduce_sum3A_227 = vector.multi_reduction <add>, %reshape3A_225, %reduce_sum3A_226 [1] : vector<32x2x8xf32> to vector<32x8xf32>
    %dot_general3A_228 = arith.constant dense<0.000000e+00> : vector<32x4xf32>
    %dot_general3A_229 = tpu.matmul %reduce_sum3A_227, %get3A_13, %dot_general3A_228 {dimension_numbers = #tpu.dot_dimension_numbers<[1], [0], [0], [1], [0, 0, 1, 1], [], []>, precision = #tpu.contract_precision<fp32>, transpose_lhs_hint = false} : vector<32x8xf32>, vector<8x4xf32>, vector<32x4xf32> -> vector<32x4xf32>
    %add3A_230 = arith.addf %add3A_201, %dot_general3A_229 : vector<32x4xf32>
    %dot_general3A_231 = arith.constant dense<0.000000e+00> : vector<64x32xf32>
    %dot_general3A_232 = tpu.matmul %mul3A_223, %get3A_1, %dot_general3A_231 {dimension_numbers = #tpu.dot_dimension_numbers<[1], [0], [0], [1], [0, 0, 1, 1], [], []>, precision = #tpu.contract_precision<fp32>, transpose_lhs_hint = false} : vector<64x64xf32>, vector<64x32xf32>, vector<64x32xf32> -> vector<64x32xf32>
    %reshape3A_233 = vector.shape_cast %dot_general3A_232 : vector<64x32xf32> to vector<32x2x32xf32>
    %slice3A_234 = vector.extract_strided_slice %reshape3A_233 {offsets = [0, 0, 0], sizes = [32, 1, 32], strides = [1, 1, 1]} : vector<32x2x32xf32> to vector<32x1x32xf32>
    %squeeze3A_235 = vector.shape_cast %slice3A_234 : vector<32x1x32xf32> to vector<32x32xf32>
    %slice3A_236 = vector.extract_strided_slice %reshape3A_233 {offsets = [0, 1, 0], sizes = [32, 1, 32], strides = [1, 1, 1]} : vector<32x2x32xf32> to vector<32x1x32xf32>
    %squeeze3A_237 = vector.shape_cast %slice3A_236 : vector<32x1x32xf32> to vector<32x32xf32>
    %concatenate3A_238 = tpu.concatenate %squeeze3A_235, %squeeze3A_237 in 1 : vector<32x32xf32>, vector<32x32xf32> -> vector<32x64xf32>
    %get3A_239 = arith.constant 0 : index
    %get3A_240 = arith.constant 0 : index
    %get3A_241 = arith.constant 0 : index
    %get3A_242 = vector.load %arg1[%get3A_239, %get3A_240, %get3A_241] : memref<32x512x64xf32, #tpu.memory_space<vmem>>, vector<32x1x64xf32>
    %reshape3A_243 = vector.shape_cast %get3A_242 : vector<32x1x64xf32> to vector<32x64xf32>
    %mul3A_244 = arith.mulf %reshape3A_243, %concatenate3A_238 : vector<32x64xf32>
    %dot_general3A_245 = arith.constant dense<0.000000e+00> : vector<32x8xf32>
    %dot_general3A_246 = tpu.matmul %mul3A_244, %get3A_7, %dot_general3A_245 {dimension_numbers = #tpu.dot_dimension_numbers<[1], [0], [0], [1], [0, 0, 1, 1], [], []>, precision = #tpu.contract_precision<fp32>, transpose_lhs_hint = false} : vector<32x64xf32>, vector<64x8xf32>, vector<32x8xf32> -> vector<32x8xf32>
    %div3A_247 = arith.constant 1.000000e+00 : f32
    %div3A_248 = vector.broadcast %div3A_247 : f32 to vector<32x8xf32>
    %div3A_249 = arith.divf %div3A_248, %dot_general3A_246 : vector<32x8xf32>
    %dot_general3A_250 = arith.constant dense<0.000000e+00> : vector<32x64xf32>
    %dot_general3A_251 = tpu.matmul %div3A_249, %get3A_10, %dot_general3A_250 {dimension_numbers = #tpu.dot_dimension_numbers<[1], [0], [0], [1], [0, 0, 1, 1], [], []>, precision = #tpu.contract_precision<fp32>, transpose_lhs_hint = false} : vector<32x8xf32>, vector<8x64xf32>, vector<32x64xf32> -> vector<32x64xf32>
    %mul3A_252 = arith.mulf %mul3A_244, %dot_general3A_251 : vector<32x64xf32>
    %log3A_253 = math.log %dot_general3A_246 : vector<32x8xf32>
    %reshape3A_254 = vector.shape_cast %log3A_253 : vector<32x8xf32> to vector<32x1x8xf32>
    %reduce_sum3A_255 = arith.constant dense<0.000000e+00> : vector<32x8xf32>
    %reduce_sum3A_256 = vector.multi_reduction <add>, %reshape3A_254, %reduce_sum3A_255 [1] : vector<32x1x8xf32> to vector<32x8xf32>
    %dot_general3A_257 = arith.constant dense<0.000000e+00> : vector<32x4xf32>
    %dot_general3A_258 = tpu.matmul %reduce_sum3A_256, %get3A_13, %dot_general3A_257 {dimension_numbers = #tpu.dot_dimension_numbers<[1], [0], [0], [1], [0, 0, 1, 1], [], []>, precision = #tpu.contract_precision<fp32>, transpose_lhs_hint = false} : vector<32x8xf32>, vector<8x4xf32>, vector<32x4xf32> -> vector<32x4xf32>
    %add3A_259 = arith.addf %add3A_230, %dot_general3A_258 : vector<32x4xf32>
    %dot_general3A_260 = arith.constant dense<0.000000e+00> : vector<32x32xf32>
    %dot_general3A_261 = tpu.matmul %mul3A_252, %get3A_1, %dot_general3A_260 {dimension_numbers = #tpu.dot_dimension_numbers<[1], [0], [0], [1], [0, 0, 1, 1], [], []>, precision = #tpu.contract_precision<fp32>, transpose_lhs_hint = false} : vector<32x64xf32>, vector<64x32xf32>, vector<32x32xf32> -> vector<32x32xf32>
    %get3A_262 = arith.constant 0 : index
    %get3A_263 = arith.constant 511 : index
    %get3A_264 = arith.constant 0 : index
    %get3A_265 = vector.load %arg1[%get3A_262, %get3A_263, %get3A_264] : memref<32x512x64xf32, #tpu.memory_space<vmem>>, vector<32x1x32xf32>
    %reshape3A_266 = vector.shape_cast %get3A_265 : vector<32x1x32xf32> to vector<32x32xf32>
    %mul3A_267 = arith.mulf %reshape3A_266, %dot_general3A_261 : vector<32x32xf32>
    %dot_general3A_268 = arith.constant dense<0.000000e+00> : vector<32x4xf32>
    %dot_general3A_269 = tpu.matmul %mul3A_267, %get3A_16, %dot_general3A_268 {dimension_numbers = #tpu.dot_dimension_numbers<[1], [0], [0], [1], [0, 0, 1, 1], [], []>, precision = #tpu.contract_precision<fp32>, transpose_lhs_hint = false} : vector<32x32xf32>, vector<32x4xf32>, vector<32x4xf32> -> vector<32x4xf32>
    %log3A_270 = math.log %dot_general3A_269 : vector<32x4xf32>
    %add3A_271 = arith.addf %add3A_259, %log3A_270 : vector<32x4xf32>
    %swap3A = arith.constant 0 : index
    %swap3A_272 = arith.constant 0 : index
    %swap3A_273 = vector.load %arg8[%swap3A, %swap3A_272] : memref<32x4xf32, #tpu.memory_space<vmem>>, vector<32x4xf32>
    tpu.vector_store %arg8[%swap3A, %swap3A_272], %add3A_271 {strides = array<i32>} : memref<32x4xf32, #tpu.memory_space<vmem>>, vector<32x4xf32>,
    return
  }
  func.func @transform_0(%arg0: i32) -> (i32, i32, i32) {
    %c0_i32 = arith.constant 0 : i32
    %c0_i32_0 = arith.constant 0 : i32
    %c0_i32_1 = arith.constant 0 : i32
    return %arg0, %c0_i32, %c0_i32_0 : i32, i32, i32
  }
  func.func @transform_1(%arg0: i32) -> (i32, i32) {
    %c0_i32 = arith.constant 0 : i32
    %c0_i32_0 = arith.constant 0 : i32
    %c0_i32_1 = arith.constant 0 : i32
    return %c0_i32, %c0_i32_0 : i32, i32
  }
  func.func @transform_2(%arg0: i32) -> (i32, i32) {
    %c0_i32 = arith.constant 0 : i32
    %c0_i32_0 = arith.constant 0 : i32
    %c0_i32_1 = arith.constant 0 : i32
    return %c0_i32, %c0_i32_0 : i32, i32
  }
  func.func @transform_3(%arg0: i32) -> (i32, i32) {
    %c0_i32 = arith.constant 0 : i32
    %c0_i32_0 = arith.constant 0 : i32
    %c0_i32_1 = arith.constant 0 : i32
    return %c0_i32, %c0_i32_0 : i32, i32
  }
  func.func @transform_4(%arg0: i32) -> (i32, i32) {
    %c0_i32 = arith.constant 0 : i32
    %c0_i32_0 = arith.constant 0 : i32
    %c0_i32_1 = arith.constant 0 : i32
    return %c0_i32, %c0_i32_0 : i32, i32
  }
  func.func @transform_5(%arg0: i32) -> (i32, i32) {
    %c0_i32 = arith.constant 0 : i32
    %c0_i32_0 = arith.constant 0 : i32
    %c0_i32_1 = arith.constant 0 : i32
    return %c0_i32, %c0_i32_0 : i32, i32
  }
  func.func @transform_6(%arg0: i32) -> (i32, i32) {
    %c0_i32 = arith.constant 0 : i32
    %c0_i32_0 = arith.constant 0 : i32
    %c0_i32_1 = arith.constant 0 : i32
    return %c0_i32, %c0_i32_0 : i32, i32
  }
  func.func @transform_7(%arg0: i32) -> (i32, i32) {
    %c0_i32 = arith.constant 0 : i32
    %c0_i32_0 = arith.constant 0 : i32
    return %arg0, %c0_i32 : i32, i32
  }
}

</mosaic_0001>

<sc_bundles>
// kernel: kernel.5.cloned.1.call-start
scs
__scs_entry_jumppad:
0x0: {  	(pc) =	sbr.rel $0x88, $3  }
0x1: {  	(tag) =	ssettag $0x0;
	lr =	simm.s32 $0x1  }
0x2: {  	[smem:$0x3F9D] =	sst lr;
	_ =	strace $0xD0000000  }
0x3: {  	_ = 	snop  }
0x4: {  	_ = 	snop  }
0x5: {  	_ = 	snop  }
0x6: {  	_ = 	snop  }
0x7: {  	_ = 	snop  }
__scs_overlays_trampoline_lowered:
0x8: {  	[smem:$0x3FAC] =	sst s0  }
0x9: {  	[smem:$0x3FAD] =	sst s1  }
0xa: {  	[smem:$0x3FAE] =	sst s2  }
0xb: {  	[smem:$0x3FAF] =	sst s3  }
0xc: {  	[smem:$0x3FB0] =	sst s4  }
0xd: {  	[smem:$0x3FB1] =	sst s5  }
0xe: {  	[smem:$0x3FB2] =	sst s6  }
0xf: {  	[smem:$0x3FB3] =	sst s7  }
0x10: {  	[smem:$0x3FB4] =	sst s8  }
0x11: {  	[smem:$0x3FB5] =	sst s9;
	s0 =	simm.s32 @!p0 $0x0  }
0x12: {  	s1 =	sld [smem:$0x3F9B];
	s0 =	simm.s32 @p0 $0x1  }
0x13: {  	[smem:$0x3FB6] =	sst s0;
	s0 =	simm.s32 @!p1 $0x0  }
0x14: {  	s2 =	sld [smem:$0x3F9A];
	s0 =	simm.s32 @p1 $0x1  }
0x15: {  	[smem:$0x3FB7] =	sst s0;
	s0 =	simm.s32 @!p2 $0x0  }
0x16: {  	s3 =	sld [smem:$0x3FDB];
	s0 =	simm.s32 @p2 $0x1  }
0x17: {  	s4 =	simm.s32 $0x1BF5;
	[smem:$0x3FB9] =	sst s0  }
0x18: {  	s0 =	sld [smem:$0x3F9C];
	_ =	swait.ge [sflag:s4], $0x0  }
0x19: {  	s7 =	sld [smem:$0x3F9D]  }
0x1a: {  	s8 =	sadd.s32 $0xFFFFE003, lr  }
0x1b: {  	s9 =	sadd.s32 $0xFFFFFEF7, lr;
	s5 =	simm.s32 $0xFFFFFFFF;
	p2 =	slt.u32 s8, $0xFFFFF086  }
0x1c: {  	p1 =	slt.u32 s9, $0xF7A;
	s5 =	simm.s32 @!p2 $0x0  }
0x1d: {  	s5 =	simm.s32 @p1 $0x1;
	p0 =	seq.s32 s7, s2  }
0x1e: {  	s7 =	smul.u32 @!p0 $0xF7A, s2;
	p2 =	seq.s32 @!p0 s5, $0x0  }
0x1f: {  	s9 =	smul.u32 $0xF7A, s1;
	s8 =	simm.s32 @!p0 $0x1BF5;
	p2 =	por !p2, p0  }
0x20: {  	[sflag:s8] =	ssyncset.s32 @!p0 $0xFFFFF086;
	s6 =	sadd.s32 @!p0 s3, s7;
	s7 =	simm.s32 @!p0 $0x108  }
0x21: {  	s3 =	sadd.s32 s3, s9;
	s6 =	sadd.s32 @!p0 $0x88, s6;
	s7 =	simm.s32 @p2 $0x1082  }
0x22: {  	[simem:s7], [sflag:s8] =	dma.local @!p0 [hbm:s6], $0xF7A  }
0x23: {  	s9 =	sor.u32 $0xD0000000, s2;
	s6 =	simm.s32 $0x108;
	_ =	swait.ge @!p0 [sflag:s8], $0x0  }
0x24: {  	s3 =	sadd.s32 $0x88, s3;
	s6 =	simm.s32 @!p1 $0x1082;
	[sflag:s4] =	ssyncset.s32 $0xFFFFF086  }
0x25: {  	[simem:s6], [sflag:s4] =	dma.local [hbm:s3], $0xF7A  }
0x26: {  	[smem:$0x3F9D] =	sst s1;
	(tag) =	ssettag s2;
	_ =	strace s9  }
0x27: {  	s1 =	sld [smem:$0x3FAD]  }
0x28: {  	s2 =	sld [smem:$0x3FAE]  }
0x29: {  	s4 =	sld [smem:$0x3FB0]  }
0x2a: {  	p0 =	seq.s32 s5, $0x0;
	s5 =	sld [smem:$0x3FB1]  }
0x2b: {  	s6 =	sld [smem:$0x3FB2]  }
0x2c: {  	s7 =	sld [smem:$0x3FB3]  }
0x2d: {  	s3 =	simm.s32 $0x108;
	s8 =	sld [smem:$0x3FB4]  }
0x2e: {  	s3 =	simm.s32 @!p0 $0x1082;
	s9 =	sld [smem:$0x3FB5]  }
0x2f: {  	lr =	sadd.s32 s0, s3;
	s0 =	sld [smem:$0x3FAC]  }
0x30: {  	s3 =	sld [smem:$0x3FAF]  }
0x31: {  	[smem:$0x3FB8] =	sst s10  }
0x32: {  	s10 =	sld [smem:$0x3FB6];
	_ =	sdelay $0x3  }
0x33: {  	p0 =	seq.s32 s10, $0x1;
	s10 =	sld [smem:$0x3FB8];
	_ =	sdelay $0x3  }
0x34: {  	[smem:$0x3FB8] =	sst s10  }
0x35: {  	s10 =	sld [smem:$0x3FB7];
	_ =	sdelay $0x3  }
0x36: {  	p1 =	seq.s32 s10, $0x1;
	s10 =	sld [smem:$0x3FB8];
	_ =	sdelay $0x3  }
0x37: {  	[smem:$0x3FB8] =	sst s10  }
0x38: {  	s10 =	sld [smem:$0x3FB9]  }
0x39: {  	_ = 	snop;
	(pc) =	sbr.ind lr, $3  }
0x3a: {  	_ = 	snop  }
0x3b: {  	_ = 	snop  }
0x3c: {  	p2 =	seq.s32 s10, $0x1;
	s10 =	sld [smem:$0x3FB8]  }
0x3d: {  	_ =	shalt  }
0x3e: {  	_ =	shalt  }
0x3f: {  	_ =	shalt  }
0x40: {  	_ =	shalt  }
0x41: {  	_ =	shalt  }
0x42: {  	_ =	shalt  }
0x43: {  	_ =	shalt  }
0x44: {  	_ =	shalt  }
0x45: {  	_ =	shalt  }
0x46: {  	_ =	shalt  }
0x47: {  	_ =	shalt  }
0x48: {  	_ =	shalt  }
0x49: {  	_ =	shalt  }
0x4a: {  	_ =	shalt  }
0x4b: {  	_ =	shalt  }
0x4c: {  	_ =	shalt  }
0x4d: {  	_ =	shalt  }
0x4e: {  	_ =	shalt  }
0x4f: {  	_ =	shalt  }
0x50: {  	_ =	shalt  }
0x51: {  	_ =	shalt  }
0x52: {  	_ =	shalt  }
0x53: {  	_ =	shalt  }
0x54: {  	_ =	shalt  }
0x55: {  	_ =	shalt  }
0x56: {  	_ =	shalt  }
0x57: {  	_ =	shalt  }
0x58: {  	_ =	shalt  }
0x59: {  	_ =	shalt  }
0x5a: {  	_ =	shalt  }
0x5b: {  	_ =	shalt  }
0x5c: {  	_ =	shalt  }
0x5d: {  	_ =	shalt  }
0x5e: {  	_ =	shalt  }
0x5f: {  	_ =	shalt  }
0x60: {  	_ =	shalt  }
0x61: {  	_ =	shalt  }
0x62: {  	_ =	shalt  }
0x63: {  	_ =	shalt  }
0x64: {  	_ =	shalt  }
0x65: {  	_ =	shalt  }
0x66: {  	_ =	shalt  }
0x67: {  	_ =	shalt  }
0x68: {  	_ =	shalt  }
0x69: {  	_ =	shalt  }
0x6a: {  	_ =	shalt  }
0x6b: {  	_ =	shalt  }
0x6c: {  	_ =	shalt  }
0x6d: {  	_ =	shalt  }
0x6e: {  	_ =	shalt  }
0x6f: {  	_ =	shalt  }
0x70: {  	_ =	shalt  }
0x71: {  	_ =	shalt  }
0x72: {  	_ =	shalt  }
0x73: {  	_ =	shalt  }
0x74: {  	_ =	shalt  }
0x75: {  	_ =	shalt  }
0x76: {  	_ =	shalt  }
0x77: {  	_ =	shalt  }
0x78: {  	_ =	shalt  }
0x79: {  	_ =	shalt  }
0x7a: {  	_ =	shalt  }
0x7b: {  	_ =	shalt  }
0x7c: {  	_ =	shalt  }
0x7d: {  	_ =	shalt  }
0x7e: {  	_ =	shalt  }
0x7f: {  	_ =	shalt  }
0x80: {  	_ =	shalt  }
0x81: {  	_ =	shalt  }
0x82: {  	_ =	shalt  }
0x83: {  	_ =	shalt  }
0x84: {  	_ =	shalt  }
0x85: {  	_ =	shalt  }
0x86: {  	_ =	shalt  }
0x87: {  	_ =	shalt  }
.Lfunc_end0:
.L_simem_size_0:
called_computation_lowered:
.L_overlay_start_0:
0x88: {  	s2 =	sld [smem:$0x3FD9]  }
0x89: {  	s3 =	sld [smem:$0x3FFE];
	_ =	sdelay $0x1  }
0x8a: {  	s1 =	srdreg.scid  }
0x8b: {  	s0 =	sand.u32 $0x1, s1  }
0x8c: {  	s16 =	sshll.u32 s0, $0xA;
	s2 =	sadd.s32 s3, s2  }
0x8d: {  	s2 =	sadd.s32 s2, s16  }
0x8e: {  	[smem:$0x3FC4] =	sst s2  }
0x8f: {  	_ = 	snop  }
0x90: {  	(tm) =	ssettm $0x1  }
0x91: {  	s17 =	sld [smem:$0x3FFB];
	_ =	sdelay $0x3  }
0x92: {  	_ =	strace s17  }
0x93: {  	s2 =	sld [smem:$0x3FFC];
	_ =	sdelay $0x3  }
0x94: {  	_ =	strace s2  }
0x95: {  	s2 =	sld [smem:$0x3FFD];
	_ =	sdelay $0x3  }
0x96: {  	_ =	strace s2  }
0x97: {  	_ =	strace $0x8FFFFFFF  }
0x98: {  	s18 =	sld [smem:$0x3FDB];
	_ =	sdelay $0x1  }
0x99: {  	s19 =	simm.s32 $_scs_section_size  }
0x9a: {  	s4 =	simm.s32 $_size__tile_overlayer_lowered;
	s5 =	simm.s32 $_tile_overlayer_lowered  }
0x9b: {  	s22 =	simm.s32 $0x1BFF;
	s21 =	sshll.u32 s5, $0x1;
	s2 =	sadd.s32 s19, s18  }
0x9c: {  	s6 =	simm.s32 $0x0;
	s20 =	sshll.u32 s4, $0x1;
	s4 =	sadd.s32 s21, s2  }
0x9d: {  	[timem:s6], [sflag:s22] =	dma.local [hbm:s4], s20  }
0x9e: {  	_ =	swait.ge [sflag:s22], s20  }
0x9f: {  	s3 =	ssub.s32 $0x0, s20;
	[sflag:s22] =	ssyncset.done $0x0  }
0xa0: {  	[sflag:s22] =	ssyncadd.s32 s3;
	_ =	sdelay $0x1  }
0xa1: {  	s23 =	simm.s32 $0x1B8B  }
0xa2: {  	_ =	swait.ge [sflag:s23], $0x1  }
0xa3: {  	[sflag:s23] =	ssyncset.done $0x0  }
0xa4: {  	s25 =	simm.s32 $0x1B8E;
	s24 =	sld [smem:$0x3FFE];
	[sflag:s23] =	ssyncadd.s32 $0xFFFFFFFF  }
0xa5: {  	s26 =	simm.s32 $execute0_lowered;
	[smem:$0x3FD2] =	sst s25  }
0xa6: {  	s4 =	sshll.u32 s26, $0x1;
	_ =	strace $0x80000046;
	[dreg:$0x1] =	wrdreg $0xFFFFFFFF  }
0xa7: {  	s28 =	simm.s32 $_size_execute0_lowered;
	s2 =	sadd.s32 s2, s4;
	[dreg:$0x0] =	wrdreg $0x0  }
0xa8: {  	s4 =	sshll.u32 s28, $0x1;
	[dreg:$0x2] =	wrdreg s2  }
0xa9: {  	[dreg:$0x3] =	wrdreg s4  }
0xaa: {  	[dreg:$0x4] =	wrdreg $0xC0  }
0xab: {  	_ =	task [dreg:s6], $0x5FFFF  }
0xac: {  	[dreg:$0x1] =	wrdreg $0xFFFFFFFF  }
0xad: {  	[dreg:$0x0] =	wrdreg $0x60  }
0xae: {  	[dreg:$0x2] =	wrdreg s24  }
0xaf: {  	[dreg:$0x3] =	wrdreg $0x9  }
0xb0: {  	_ =	task.clear_ibuf [dreg:s6], $0x4FFFF;
	_ =	strace $0x90000046  }
0xb1: {  	s29 =	simm.s32 $0x9;
	_ =	strace $0x80000048  }
0xb2: {  	_ =	swait.ge [sflag:s29], $0x1  }
0xb3: {  	[sflag:s29] =	ssyncadd.s32 $0xFFFFFFFF  }
0xb4: {  	_ =	strace $0x90000048  }
0xb5: {  	_ =	sfence  }
0xb6: {  	s30 =	sld [smem:$0x0];
	_ =	sdelay $0x2  }
0xb7: {  	s31 =	sshll.u32 s1, $0xD;
	s1 =	sshrl.u32 s1, $0x2  }
0xb8: {  	s3 =	sand.u32 $0x4000, s31;
	s1 =	sadd.s32 s1, s30  }
0xb9: {  	s0 =	sor.u32 s3, s0;
	s1 =	sshll.u32 s1, $0x11  }
0xba: {  	s0 =	sor.u32 s1, s0  }
0xbb: {  	s0 =	sadd.s32 $0x8F2B, s0  }
0xbc: {  	[sflag:s0] =	ssyncadd.remote.s32 $0x1  }
0xbd: {  	_ =	sfence.sel $0xFFFF  }
0xbe: {  	[dreg:$0x0] =	wrdreg $0xFFFFFFFF;
	(pc) =	sbr.abs _section_cstart, $3  }
0xbf: {  	[dreg:$0x1] =	wrdreg $0xFFFFFFFF  }
0xc0: {  	_ =	task.clear_ibuf [dreg:s6], $0x2FFFF;
	_ =	strace $0x9FFFFFFF  }
0xc1: {  	(tm) =	ssettm $0x7FFFFFFF  }
tec
execute0_lowered:
.L_overlay_start_1:
0x0: {  	(tag) =	ssettag $0x1  }
0x1: {  	s4 =	rddreg [dreg:$0x0]  }
0x2: {  	s0 =	rddreg [dreg:$0x1]  }
0x3: {  	s2 =	simm.s32 $0x0;
	s3 =	srdreg.scid;
	s1 =	stileid.u32  }
0x4: {  	s10 =	simm.s32 $0x5000;
	s11 =	simm.s32 $0x6000;
	s12 =	simm.s32 $0x7000  }
0x5: {  	s13 =	simm.s32 $0x8000;
	s14 =	simm.s32 $0x9000;
	s15 =	simm.s32 $0xA000  }
0x6: {  	s16 =	simm.s32 $0xB000;
	s17 =	simm.s32 $0x1;
	s18 =	simm.s32 $0x0  }
0x7: {  	[smem:$0x7FF] =	sst s2;
	s5 =	sand.u32 $0x1, s3;
	s3 =	sadd.s32 $0x10C00, s4  }
0x8: {  	s6 =	sshll.u32 s1, $0xC;
	s30 =	sshll.u32 s1, $0x11;
	_ =	strace $0x80000047  }
0x9: {  	s7 =	sshll.u32 s5, $0xB;
	s8 =	ssub.s32 $0x2, s5;
	s5 =	sshll.u32 s5, $0x10  }
0xa: {  	s6 =	sor.u32 s7, s6;
	s7 =	sadd.s32 s30, s4;
	s9 =	sshrl.u32 s8, $0x1  }
0xb: {  	s4 =	sadd.s32 s6, s4;
	s31 =	ssub.s32 s8, s9;
	s7 =	sadd.s32 s5, s7  }
0xc: {  	s8 =	simm.s32 $0x80;
	s9 =	simm.s32 $0x4000;
	s4 =	sadd.s32 $0xC00, s4  }
0xd: {  	s5 =	smax.u32 s31, $0x1;
	s6 =	sadd.s32 $0x11C00, s7;
	s7 =	simm.s32 $0x2  }
.LBB2_1:
0xe: {  	[tilespmem:s2], [sflag:$0x2] =	stream.linear.gather [hbm4b:s4+s2], $0x4000, $0x38;
	[tilespmem:$0xC000] =	vst v63  }
0xf: {  	_ =	swait.ge [sflag:s7], $0x4000  }
0x10: {  	[sflag:s7] =	ssyncset.done $0x0  }
0x11: {  	s19 =	simm.s32 $0x0;
	[sflag:s7] =	ssyncadd.s32 $0xFFFFC000  }
0x12: {  	[tilespmem:s9], [sflag:$0x1] =	stream.indirect.gather [hbm4b:s3+s8], $0x20, s19, s8, $0xb8;
	[tilespmem:$0xC000] =	vst v63  }
0x13: {  	s30 =	simm.s32 $0x80  }
0x14: {  	[tilespmem:s10], [sflag:$0x1] =	stream.indirect.gather [hbm4b:s3+s8], $0x20, s30, s8, $0xb8;
	[tilespmem:$0xC000] =	vst v63  }
0x15: {  	s31 =	simm.s32 $0x100  }
0x16: {  	[tilespmem:s11], [sflag:$0x1] =	stream.indirect.gather [hbm4b:s3+s8], $0x20, s31, s8, $0xb8;
	[tilespmem:$0xC000] =	vst v63  }
0x17: {  	s20 =	simm.s32 $0x180  }
0x18: {  	[tilespmem:s12], [sflag:$0x1] =	stream.indirect.gather [hbm4b:s3+s8], $0x20, s20, s8, $0xb8;
	[tilespmem:$0xC000] =	vst v63  }
0x19: {  	s21 =	simm.s32 $0x200  }
0x1a: {  	[tilespmem:s13], [sflag:$0x1] =	stream.indirect.gather [hbm4b:s3+s8], $0x20, s21, s8, $0xb8;
	[tilespmem:$0xC000] =	vst v63  }
0x1b: {  	s22 =	simm.s32 $0x280  }
0x1c: {  	[tilespmem:s14], [sflag:$0x1] =	stream.indirect.gather [hbm4b:s3+s8], $0x20, s22, s8, $0xb8;
	[tilespmem:$0xC000] =	vst v63  }
0x1d: {  	s23 =	simm.s32 $0x300  }
0x1e: {  	[tilespmem:s15], [sflag:$0x1] =	stream.indirect.gather [hbm4b:s3+s8], $0x20, s23, s8, $0xb8;
	[tilespmem:$0xC000] =	vst v63  }
0x1f: {  	s24 =	simm.s32 $0x380  }
0x20: {  	[tilespmem:s16], [sflag:$0x1] =	stream.indirect.gather [hbm4b:s3+s8], $0x20, s24, s8, $0xb8;
	[tilespmem:$0xC000] =	vst v63  }
0x21: {  	_ =	swait.ge [sflag:s17], $0x1000  }
0x22: {  	[sflag:s17] =	ssyncset.done $0x0  }
0x23: {  	[sflag:s17] =	ssyncadd.s32 $0xFFFFF000  }
0x24: {  	_ =	swait.ge [sflag:s17], $0x1000  }
0x25: {  	[sflag:s17] =	ssyncset.done $0x0  }
0x26: {  	[sflag:s17] =	ssyncadd.s32 $0xFFFFF000  }
0x27: {  	_ =	swait.ge [sflag:s17], $0x1000  }
0x28: {  	[sflag:s17] =	ssyncset.done $0x0  }
0x29: {  	[sflag:s17] =	ssyncadd.s32 $0xFFFFF000  }
0x2a: {  	_ =	swait.ge [sflag:s17], $0x1000  }
0x2b: {  	[sflag:s17] =	ssyncset.done $0x0  }
0x2c: {  	[sflag:s17] =	ssyncadd.s32 $0xFFFFF000  }
0x2d: {  	_ =	swait.ge [sflag:s17], $0x1000  }
0x2e: {  	[sflag:s17] =	ssyncset.done $0x0  }
0x2f: {  	[sflag:s17] =	ssyncadd.s32 $0xFFFFF000  }
0x30: {  	_ =	swait.ge [sflag:s17], $0x1000  }
0x31: {  	[sflag:s17] =	ssyncset.done $0x0  }
0x32: {  	[sflag:s17] =	ssyncadd.s32 $0xFFFFF000  }
0x33: {  	_ =	swait.ge [sflag:s17], $0x1000  }
0x34: {  	[sflag:s17] =	ssyncset.done $0x0  }
0x35: {  	[sflag:s17] =	ssyncadd.s32 $0xFFFFF000  }
0x36: {  	_ =	swait.ge [sflag:s17], $0x1000  }
0x37: {  	[sflag:s17] =	ssyncset.done $0x0  }
0x38: {  	s25 =	sadd.s32 $0x0, s6;
	[sflag:s17] =	ssyncadd.s32 $0xFFFFF000  }
0x39: {  	[hbm4b:s25+s2] =	stream.linear.scatter [tilespmem:s9], [sflag:$0x2], $0x1000, $0x38;
	[tilespmem:$0xC000] =	vst v63  }
0x3a: {  	_ =	swait.ge [sflag:s7], $0x1000  }
0x3b: {  	[sflag:s7] =	ssyncset.done $0x0  }
0x3c: {  	s20 =	sadd.s32 $0x200, s25;
	[sflag:s7] =	ssyncadd.s32 $0xFFFFF000  }
0x3d: {  	[hbm4b:s20+s2] =	stream.linear.scatter [tilespmem:s10], [sflag:$0x2], $0x1000, $0x38;
	[tilespmem:$0xC000] =	vst v63  }
0x3e: {  	_ =	swait.ge [sflag:s7], $0x1000  }
0x3f: {  	[sflag:s7] =	ssyncset.done $0x0  }
0x40: {  	s26 =	sadd.s32 $0x400, s25;
	[sflag:s7] =	ssyncadd.s32 $0xFFFFF000  }
0x41: {  	[hbm4b:s26+s2] =	stream.linear.scatter [tilespmem:s11], [sflag:$0x2], $0x1000, $0x38;
	[tilespmem:$0xC000] =	vst v63  }
0x42: {  	_ =	swait.ge [sflag:s7], $0x1000  }
0x43: {  	[sflag:s7] =	ssyncset.done $0x0  }
0x44: {  	s28 =	sadd.s32 $0x600, s25;
	[sflag:s7] =	ssyncadd.s32 $0xFFFFF000  }
0x45: {  	[hbm4b:s28+s2] =	stream.linear.scatter [tilespmem:s12], [sflag:$0x2], $0x1000, $0x38;
	[tilespmem:$0xC000] =	vst v63  }
0x46: {  	_ =	swait.ge [sflag:s7], $0x1000  }
0x47: {  	[sflag:s7] =	ssyncset.done $0x0  }
0x48: {  	s29 =	sadd.s32 $0x800, s25;
	[sflag:s7] =	ssyncadd.s32 $0xFFFFF000  }
0x49: {  	[hbm4b:s29+s2] =	stream.linear.scatter [tilespmem:s13], [sflag:$0x2], $0x1000, $0x38;
	[tilespmem:$0xC000] =	vst v63  }
0x4a: {  	_ =	swait.ge [sflag:s7], $0x1000  }
0x4b: {  	[sflag:s7] =	ssyncset.done $0x0  }
0x4c: {  	s30 =	sadd.s32 $0xA00, s25;
	[sflag:s7] =	ssyncadd.s32 $0xFFFFF000  }
0x4d: {  	[hbm4b:s30+s2] =	stream.linear.scatter [tilespmem:s14], [sflag:$0x2], $0x1000, $0x38;
	[tilespmem:$0xC000] =	vst v63  }
0x4e: {  	_ =	swait.ge [sflag:s7], $0x1000  }
0x4f: {  	[sflag:s7] =	ssyncset.done $0x0  }
0x50: {  	s31 =	sadd.s32 $0xC00, s25;
	[sflag:s7] =	ssyncadd.s32 $0xFFFFF000  }
0x51: {  	[hbm4b:s31+s2] =	stream.linear.scatter [tilespmem:s15], [sflag:$0x2], $0x1000, $0x38;
	[tilespmem:$0xC000] =	vst v63  }
0x52: {  	_ =	swait.ge [sflag:s7], $0x1000  }
0x53: {  	[sflag:s7] =	ssyncset.done $0x0  }
0x54: {  	s19 =	sadd.s32 $0xE00, s25;
	[sflag:s7] =	ssyncadd.s32 $0xFFFFF000  }
0x55: {  	[hbm4b:s19+s2] =	stream.linear.scatter [tilespmem:s16], [sflag:$0x2], $0x1000, $0x38;
	[tilespmem:$0xC000] =	vst v63  }
0x56: {  	_ =	swait.ge [sflag:s7], $0x1000  }
0x57: {  	s22 =	simm.s32 $0x2000;
	s19 =	simm.s32 $0x1000;
	[sflag:s7] =	ssyncset.done $0x0  }
.LBB2_2:
0x58: {  	s23 =	sshra.s32 s19, $0x2  }
0x59: {  	[sflag:s7] =	ssyncadd.s32 $0xFFFFF000;
	s21 =	smov.u32 s22;
	s20 =	sadd.s32 $0x1000, s22  }
0x5a: {  	[tilespmem:s9], [sflag:$0x1] =	stream.indirect.gather [hbm4b:s3+s8], $0x20, s23, s8, $0xb8;
	[tilespmem:$0xC000] =	vst v63  }
0x5b: {  	p0 =	sne.s32 s22, $0xF000;
	s22 =	sadd.s32 $0x80, s23  }
0x5c: {  	[tilespmem:s10], [sflag:$0x1] =	stream.indirect.gather [hbm4b:s3+s8], $0x20, s22, s8, $0xb8;
	[tilespmem:$0xC000] =	vst v63  }
0x5d: {  	s22 =	sadd.s32 $0x100, s23  }
0x5e: {  	[tilespmem:s11], [sflag:$0x1] =	stream.indirect.gather [hbm4b:s3+s8], $0x20, s22, s8, $0xb8;
	[tilespmem:$0xC000] =	vst v63  }
0x5f: {  	s22 =	sadd.s32 $0x180, s23  }
0x60: {  	[tilespmem:s12], [sflag:$0x1] =	stream.indirect.gather [hbm4b:s3+s8], $0x20, s22, s8, $0xb8;
	[tilespmem:$0xC000] =	vst v63  }
0x61: {  	s22 =	sadd.s32 $0x200, s23  }
0x62: {  	[tilespmem:s13], [sflag:$0x1] =	stream.indirect.gather [hbm4b:s3+s8], $0x20, s22, s8, $0xb8;
	[tilespmem:$0xC000] =	vst v63  }
0x63: {  	s22 =	sadd.s32 $0x280, s23  }
0x64: {  	[tilespmem:s14], [sflag:$0x1] =	stream.indirect.gather [hbm4b:s3+s8], $0x20, s22, s8, $0xb8;
	[tilespmem:$0xC000] =	vst v63  }
0x65: {  	s22 =	sadd.s32 $0x300, s23  }
0x66: {  	[tilespmem:s15], [sflag:$0x1] =	stream.indirect.gather [hbm4b:s3+s8], $0x20, s22, s8, $0xb8;
	[tilespmem:$0xC000] =	vst v63  }
0x67: {  	s22 =	sadd.s32 $0x380, s23  }
0x68: {  	[tilespmem:s16], [sflag:$0x1] =	stream.indirect.gather [hbm4b:s3+s8], $0x20, s22, s8, $0xb8;
	[tilespmem:$0xC000] =	vst v63  }
0x69: {  	_ =	swait.ge [sflag:s17], $0x1000  }
0x6a: {  	[sflag:s17] =	ssyncset.done $0x0  }
0x6b: {  	[sflag:s17] =	ssyncadd.s32 $0xFFFFF000  }
0x6c: {  	_ =	swait.ge [sflag:s17], $0x1000  }
0x6d: {  	[sflag:s17] =	ssyncset.done $0x0  }
0x6e: {  	[sflag:s17] =	ssyncadd.s32 $0xFFFFF000  }
0x6f: {  	_ =	swait.ge [sflag:s17], $0x1000  }
0x70: {  	[sflag:s17] =	ssyncset.done $0x0  }
0x71: {  	[sflag:s17] =	ssyncadd.s32 $0xFFFFF000  }
0x72: {  	_ =	swait.ge [sflag:s17], $0x1000  }
0x73: {  	[sflag:s17] =	ssyncset.done $0x0  }
0x74: {  	[sflag:s17] =	ssyncadd.s32 $0xFFFFF000  }
0x75: {  	_ =	swait.ge [sflag:s17], $0x1000  }
0x76: {  	[sflag:s17] =	ssyncset.done $0x0  }
0x77: {  	[sflag:s17] =	ssyncadd.s32 $0xFFFFF000  }
0x78: {  	_ =	swait.ge [sflag:s17], $0x1000  }
0x79: {  	[sflag:s17] =	ssyncset.done $0x0  }
0x7a: {  	[sflag:s17] =	ssyncadd.s32 $0xFFFFF000  }
0x7b: {  	_ =	swait.ge [sflag:s17], $0x1000  }
0x7c: {  	[sflag:s17] =	ssyncset.done $0x0  }
0x7d: {  	[sflag:s17] =	ssyncadd.s32 $0xFFFFF000  }
0x7e: {  	_ =	swait.ge [sflag:s17], $0x1000  }
0x7f: {  	[sflag:s17] =	ssyncset.done $0x0  }
0x80: {  	s22 =	sadd.s32 s19, s6;
	s19 =	smov.u32 s21;
	[sflag:s17] =	ssyncadd.s32 $0xFFFFF000  }
0x81: {  	[hbm4b:s22+s2] =	stream.linear.scatter [tilespmem:s9], [sflag:$0x2], $0x1000, $0x38;
	[tilespmem:$0xC000] =	vst v63  }
0x82: {  	_ =	swait.ge [sflag:s7], $0x1000  }
0x83: {  	[sflag:s7] =	ssyncset.done $0x0  }
0x84: {  	s21 =	sadd.s32 $0x200, s22;
	[sflag:s7] =	ssyncadd.s32 $0xFFFFF000  }
0x85: {  	[hbm4b:s21+s2] =	stream.linear.scatter [tilespmem:s10], [sflag:$0x2], $0x1000, $0x38;
	[tilespmem:$0xC000] =	vst v63  }
0x86: {  	_ =	swait.ge [sflag:s7], $0x1000  }
0x87: {  	[sflag:s7] =	ssyncset.done $0x0  }
0x88: {  	s21 =	sadd.s32 $0x400, s22;
	[sflag:s7] =	ssyncadd.s32 $0xFFFFF000  }
0x89: {  	[hbm4b:s21+s2] =	stream.linear.scatter [tilespmem:s11], [sflag:$0x2], $0x1000, $0x38;
	[tilespmem:$0xC000] =	vst v63  }
0x8a: {  	_ =	swait.ge [sflag:s7], $0x1000  }
0x8b: {  	[sflag:s7] =	ssyncset.done $0x0  }
0x8c: {  	s21 =	sadd.s32 $0x600, s22;
	[sflag:s7] =	ssyncadd.s32 $0xFFFFF000  }
0x8d: {  	[hbm4b:s21+s2] =	stream.linear.scatter [tilespmem:s12], [sflag:$0x2], $0x1000, $0x38;
	[tilespmem:$0xC000] =	vst v63  }
0x8e: {  	_ =	swait.ge [sflag:s7], $0x1000  }
0x8f: {  	[sflag:s7] =	ssyncset.done $0x0  }
0x90: {  	s21 =	sadd.s32 $0x800, s22;
	[sflag:s7] =	ssyncadd.s32 $0xFFFFF000  }
0x91: {  	[hbm4b:s21+s2] =	stream.linear.scatter [tilespmem:s13], [sflag:$0x2], $0x1000, $0x38;
	[tilespmem:$0xC000] =	vst v63  }
0x92: {  	_ =	swait.ge [sflag:s7], $0x1000  }
0x93: {  	[sflag:s7] =	ssyncset.done $0x0  }
0x94: {  	s21 =	sadd.s32 $0xA00, s22;
	[sflag:s7] =	ssyncadd.s32 $0xFFFFF000  }
0x95: {  	[hbm4b:s21+s2] =	stream.linear.scatter [tilespmem:s14], [sflag:$0x2], $0x1000, $0x38;
	[tilespmem:$0xC000] =	vst v63  }
0x96: {  	_ =	swait.ge [sflag:s7], $0x1000  }
0x97: {  	[sflag:s7] =	ssyncset.done $0x0  }
0x98: {  	s21 =	sadd.s32 $0xC00, s22;
	[sflag:s7] =	ssyncadd.s32 $0xFFFFF000  }
0x99: {  	[hbm4b:s21+s2] =	stream.linear.scatter [tilespmem:s15], [sflag:$0x2], $0x1000, $0x38;
	[tilespmem:$0xC000] =	vst v63  }
0x9a: {  	_ =	swait.ge [sflag:s7], $0x1000  }
.Ltmp0:
0x9b: {  	[sflag:s7] =	ssyncset.done $0x0;
	(pc) =	sbr.rel @p0 .LBB2_2-.Ltmp0, $4  }
0x9c: {  	s21 =	sadd.s32 $0xE00, s22;
	[sflag:s7] =	ssyncadd.s32 $0xFFFFF000  }
0x9d: {  	[hbm4b:s21+s2] =	stream.linear.scatter [tilespmem:s16], [sflag:$0x2], $0x1000, $0x38;
	[tilespmem:$0xC000] =	vst v63  }
0x9e: {  	_ =	swait.ge [sflag:s7], $0x1000  }
0x9f: {  	s22 =	smov.u32 s20;
	[sflag:s7] =	ssyncset.done $0x0  }
0xa0: {  	s20 =	sshra.s32 s19, $0x2;
	[sflag:s7] =	ssyncadd.s32 $0xFFFFF000  }
0xa1: {  	[tilespmem:s9], [sflag:$0x1] =	stream.indirect.gather [hbm4b:s3+s8], $0x20, s20, s8, $0xb8;
	[tilespmem:$0xC000] =	vst v63  }
0xa2: {  	s21 =	sadd.s32 $0x80, s20  }
0xa3: {  	[tilespmem:s10], [sflag:$0x1] =	stream.indirect.gather [hbm4b:s3+s8], $0x20, s21, s8, $0xb8;
	[tilespmem:$0xC000] =	vst v63  }
0xa4: {  	s29 =	sadd.s32 $0x100, s20  }
0xa5: {  	[tilespmem:s11], [sflag:$0x1] =	stream.indirect.gather [hbm4b:s3+s8], $0x20, s29, s8, $0xb8;
	[tilespmem:$0xC000] =	vst v63  }
0xa6: {  	s30 =	sadd.s32 $0x180, s20  }
0xa7: {  	[tilespmem:s12], [sflag:$0x1] =	stream.indirect.gather [hbm4b:s3+s8], $0x20, s30, s8, $0xb8;
	[tilespmem:$0xC000] =	vst v63  }
0xa8: {  	s31 =	sadd.s32 $0x200, s20  }
0xa9: {  	[tilespmem:s13], [sflag:$0x1] =	stream.indirect.gather [hbm4b:s3+s8], $0x20, s31, s8, $0xb8;
	[tilespmem:$0xC000] =	vst v63  }
0xaa: {  	s22 =	sadd.s32 $0x280, s20  }
0xab: {  	[tilespmem:s14], [sflag:$0x1] =	stream.indirect.gather [hbm4b:s3+s8], $0x20, s22, s8, $0xb8;
	[tilespmem:$0xC000] =	vst v63  }
0xac: {  	s23 =	sadd.s32 $0x300, s20  }
0xad: {  	[tilespmem:s15], [sflag:$0x1] =	stream.indirect.gather [hbm4b:s3+s8], $0x20, s23, s8, $0xb8;
	[tilespmem:$0xC000] =	vst v63  }
0xae: {  	s20 =	sadd.s32 $0x380, s20  }
0xaf: {  	[tilespmem:s16], [sflag:$0x1] =	stream.indirect.gather [hbm4b:s3+s8], $0x20, s20, s8, $0xb8;
	[tilespmem:$0xC000] =	vst v63  }
0xb0: {  	_ =	swait.ge [sflag:s17], $0x1000  }
0xb1: {  	[sflag:s17] =	ssyncset.done $0x0  }
0xb2: {  	[sflag:s17] =	ssyncadd.s32 $0xFFFFF000  }
0xb3: {  	_ =	swait.ge [sflag:s17], $0x1000  }
0xb4: {  	[sflag:s17] =	ssyncset.done $0x0  }
0xb5: {  	[sflag:s17] =	ssyncadd.s32 $0xFFFFF000  }
0xb6: {  	_ =	swait.ge [sflag:s17], $0x1000  }
0xb7: {  	[sflag:s17] =	ssyncset.done $0x0  }
0xb8: {  	[sflag:s17] =	ssyncadd.s32 $0xFFFFF000  }
0xb9: {  	_ =	swait.ge [sflag:s17], $0x1000  }
0xba: {  	[sflag:s17] =	ssyncset.done $0x0  }
0xbb: {  	[sflag:s17] =	ssyncadd.s32 $0xFFFFF000  }
0xbc: {  	_ =	swait.ge [sflag:s17], $0x1000  }
0xbd: {  	[sflag:s17] =	ssyncset.done $0x0  }
0xbe: {  	[sflag:s17] =	ssyncadd.s32 $0xFFFFF000  }
0xbf: {  	_ =	swait.ge [sflag:s17], $0x1000  }
0xc0: {  	[sflag:s17] =	ssyncset.done $0x0  }
0xc1: {  	[sflag:s17] =	ssyncadd.s32 $0xFFFFF000  }
0xc2: {  	_ =	swait.ge [sflag:s17], $0x1000  }
0xc3: {  	[sflag:s17] =	ssyncset.done $0x0  }
0xc4: {  	[sflag:s17] =	ssyncadd.s32 $0xFFFFF000  }
0xc5: {  	_ =	swait.ge [sflag:s17], $0x1000  }
0xc6: {  	[sflag:s17] =	ssyncset.done $0x0  }
0xc7: {  	s24 =	sadd.s32 s19, s6;
	[sflag:s17] =	ssyncadd.s32 $0xFFFFF000  }
0xc8: {  	[hbm4b:s24+s2] =	stream.linear.scatter [tilespmem:s9], [sflag:$0x2], $0x1000, $0x38;
	[tilespmem:$0xC000] =	vst v63  }
0xc9: {  	_ =	swait.ge [sflag:s7], $0x1000  }
0xca: {  	[sflag:s7] =	ssyncset.done $0x0  }
0xcb: {  	s25 =	sadd.s32 $0x200, s24;
	[sflag:s7] =	ssyncadd.s32 $0xFFFFF000  }
0xcc: {  	[hbm4b:s25+s2] =	stream.linear.scatter [tilespmem:s10], [sflag:$0x2], $0x1000, $0x38;
	[tilespmem:$0xC000] =	vst v63  }
0xcd: {  	_ =	swait.ge [sflag:s7], $0x1000  }
0xce: {  	[sflag:s7] =	ssyncset.done $0x0  }
0xcf: {  	s26 =	sadd.s32 $0x400, s24;
	[sflag:s7] =	ssyncadd.s32 $0xFFFFF000  }
0xd0: {  	[hbm4b:s26+s2] =	stream.linear.scatter [tilespmem:s11], [sflag:$0x2], $0x1000, $0x38;
	[tilespmem:$0xC000] =	vst v63  }
0xd1: {  	_ =	swait.ge [sflag:s7], $0x1000  }
0xd2: {  	[sflag:s7] =	ssyncset.done $0x0  }
0xd3: {  	s28 =	sadd.s32 $0x600, s24;
	[sflag:s7] =	ssyncadd.s32 $0xFFFFF000  }
0xd4: {  	[hbm4b:s28+s2] =	stream.linear.scatter [tilespmem:s12], [sflag:$0x2], $0x1000, $0x38;
	[tilespmem:$0xC000] =	vst v63  }
0xd5: {  	_ =	swait.ge [sflag:s7], $0x1000  }
0xd6: {  	[sflag:s7] =	ssyncset.done $0x0  }
0xd7: {  	s29 =	sadd.s32 $0x800, s24;
	[sflag:s7] =	ssyncadd.s32 $0xFFFFF000  }
0xd8: {  	[hbm4b:s29+s2] =	stream.linear.scatter [tilespmem:s13], [sflag:$0x2], $0x1000, $0x38;
	[tilespmem:$0xC000] =	vst v63  }
0xd9: {  	_ =	swait.ge [sflag:s7], $0x1000  }
0xda: {  	[sflag:s7] =	ssyncset.done $0x0  }
0xdb: {  	s30 =	sadd.s32 $0xA00, s24;
	[sflag:s7] =	ssyncadd.s32 $0xFFFFF000  }
0xdc: {  	[hbm4b:s30+s2] =	stream.linear.scatter [tilespmem:s14], [sflag:$0x2], $0x1000, $0x38;
	[tilespmem:$0xC000] =	vst v63  }
0xdd: {  	_ =	swait.ge [sflag:s7], $0x1000  }
0xde: {  	[sflag:s7] =	ssyncset.done $0x0  }
0xdf: {  	s31 =	sadd.s32 $0xC00, s24;
	[sflag:s7] =	ssyncadd.s32 $0xFFFFF000  }
0xe0: {  	[hbm4b:s31+s2] =	stream.linear.scatter [tilespmem:s15], [sflag:$0x2], $0x1000, $0x38;
	[tilespmem:$0xC000] =	vst v63  }
0xe1: {  	s18 =	sadd.s32 $0x1, s18;
	_ =	swait.ge [sflag:s7], $0x1000  }
0xe2: {  	p0 =	sne.s32 s18, s5;
	[sflag:s7] =	ssyncset.done $0x0  }
.Ltmp1:
0xe3: {  	s19 =	sadd.s32 $0xE00, s24;
	[sflag:s7] =	ssyncadd.s32 $0xFFFFF000;
	(pc) =	sbr.rel @p0 .LBB2_1-.Ltmp1, $4  }
0xe4: {  	[hbm4b:s19+s2] =	stream.linear.scatter [tilespmem:s16], [sflag:$0x2], $0x1000, $0x38;
	[tilespmem:$0xC000] =	vst v63  }
0xe5: {  	_ =	swait.ge [sflag:s7], $0x1000  }
0xe6: {  	[sflag:s7] =	ssyncset.done $0x0  }
0xe7: {  	[sflag:s7] =	ssyncadd.s32 $0xFFFFF000  }
0xe8: {  	_ =	sfence.sel $0x180000  }
0xe9: {  	[bflag:$0x0] =	sbarrier.arrive $0xFFFF  }
0xea: {  	p0 =	sne.s32 s1, $0x0;
	_ =	strace $0x90000047  }
0xeb: {  	s0 =	sadd.s32 @!p0 $0x100000, s0;
	[bflag:$0x2] =	sbarrier.arrive $0xFFFF  }
0xec: {  	[sflag:s0] =	ssyncadd.tile.s32 @!p0 $0x1;
	_ =	shalt  }
.Lfunc_end2:
_tile_overlayer_lowered:
.L_overlay_start_2:
0xed: {  	(tag) =	ssettag $0x2  }
0xee: {  	s0 =	rddreg [dreg:$0x0];
	s2 =	stileid.u32  }
0xef: {  	s1 =	rddreg [dreg:$0x1];
	p0 =	sne.s32 s2, $0x0  }
0xf0: {  	s3 =	rddreg [dreg:$0x2];
	[bflag:$0x3] =	sbarrier.arrive $0xFFFF;
	s2 =	simm.s32 @!p0 $0x1C02  }
0xf1: {  	[timem:s3], [sflag:s2] =	dma.local @!p0 [hbm:s0], s1  }
0xf2: {  	s0 =	simm.s32 @!p0 $0x2  }
0xf3: {  	_ =	swait.ge @!p0 [sflag:s0], s1  }
0xf4: {  	s1 =	ssub.s32 @!p0 $0x0, s1;
	[sflag:s0] =	ssyncset.done @!p0 $0x0  }
0xf5: {  	[sflag:s0] =	ssyncadd.s32 @!p0 s1  }
0xf6: {  	[bflag:$0x3] =	sbarrier.arrive $0xFFFF  }
0xf7: {  	_ =	shalt  }

</sc_bundles>
